<compile_context>
chip_gen: v7x
topology: tpu7x:2x2x1
jax: 0.10.2.dev20260603
libtpu: 0.0.44.dev20260713+nightly
codegen_flags: <defaults>
</compile_context>

<pallas_src>
import functools

import jax
import jax.numpy as jnp
from jax import lax
from jax.experimental import pallas as pl
from jax.experimental.pallas import tpu as pltpu
from jax.experimental.pallas import tpu_sc as plsc

_TAU = 0.1
_EPS = 1e-8
_L = 16
_TR = 8
_TC = 128


def _topk_body(x_ref, w1_ref, b1_ref, w2_ref, b2_ref, g_ref, idx_ref, w_ref):
    x = x_ref[...]
    h = jnp.maximum(
        lax.dot_general(x, w1_ref[...], (((1,), (0,)), ((), ())),
                        preferred_element_type=jnp.float32)
        + b1_ref[...][None, :], 0.0)
    q = lax.dot_general(h, w2_ref[...], (((1,), (0,)), ((), ())),
                        preferred_element_type=jnp.float32) + b2_ref[...][None, :]
    qn = q / jnp.maximum(jnp.sqrt(jnp.sum(q * q, axis=1, keepdims=True)), _EPS)
    g = g_ref[...]
    gn = g / jnp.maximum(jnp.sqrt(jnp.sum(g * g, axis=1, keepdims=True)), _EPS)
    sim = lax.dot_general(qn, gn, (((1,), (1,)), ((), ())),
                          preferred_element_type=jnp.float32)
    n = sim.shape[1]
    ii = lax.broadcasted_iota(jnp.int32, sim.shape, 1)
    m1 = jnp.max(sim, axis=1, keepdims=True)
    i1 = jnp.min(jnp.where(sim == m1, ii, n), axis=1, keepdims=True)
    sim2 = jnp.where(ii == i1, -jnp.inf, sim)
    m2 = jnp.max(sim2, axis=1, keepdims=True)
    i2 = jnp.min(jnp.where(sim2 == m2, ii, n), axis=1, keepdims=True)
    e = jnp.exp((m2 - m1) / _TAU)
    denom = 1.0 + e
    idx_ref[...] = jnp.concatenate([i1, i2], axis=1)
    w_ref[...] = jnp.concatenate([1.0 / denom, e / denom], axis=1)


def _topk_tc(query_encoding, W1, b1, W2, b2, gallery_embeddings):
    B = query_encoding.shape[0]
    return pl.pallas_call(
        _topk_body,
        out_shape=(
            jax.ShapeDtypeStruct((B, 2), jnp.int32),
            jax.ShapeDtypeStruct((B, 2), jnp.float32),
        ),
    )(query_encoding, W1, b1, W2, b2, gallery_embeddings)


def _gather_combine_sc(imgs_flat, masks_flat, ai_flat, am_flat, wb, dh, mh):
    nrow = wb.shape[0]
    mesh = plsc.VectorSubcoreMesh(core_axis_name="c", subcore_axis_name="s")

    hh = dh // 2

    @functools.partial(
        pl.kernel,
        out_type=(
            jax.ShapeDtypeStruct((nrow, dh), jnp.float32),
            jax.ShapeDtypeStruct((nrow, mh), jnp.float32),
        ),
        mesh=mesh,
        scratch_types=[
            pltpu.VMEM((2, _L), jnp.float32),
            pltpu.VMEM((hh,), jnp.int32),
            pltpu.VMEM((hh,), jnp.int32),
            pltpu.VMEM((hh,), jnp.int32),
            pltpu.VMEM((hh,), jnp.int32),
            pltpu.VMEM((dh,), jnp.float32),
            pltpu.VMEM((dh,), jnp.float32),
            pltpu.VMEM((mh,), jnp.int32),
            pltpu.VMEM((mh,), jnp.int32),
            pltpu.VMEM((mh,), jnp.float32),
            pltpu.VMEM((mh,), jnp.float32),
            pltpu.VMEM((dh,), jnp.float32),
            pltpu.VMEM((mh,), jnp.float32),
            pltpu.SemaphoreType.DMA,
            pltpu.SemaphoreType.DMA,
            pltpu.SemaphoreType.DMA,
            pltpu.SemaphoreType.DMA,
        ],
    )
    def k(imgs_hbm, masks_hbm, ai_hbm, am_hbm, wb_hbm, oi_hbm, om_hbm,
          w_v, i0a, i0b, i1a, i1b, ci0, ci1, im0, im1, cm0, cm1,
          acc_i, acc_m, semA, semB, semC, semP):
        wid = lax.axis_index("s") * 2 + lax.axis_index("c")
        cpw = pltpu.async_copy(wb_hbm.at[wid], w_v, semP)
        pre = [
            pltpu.async_copy(ai_hbm.at[wid, 0, pl.ds(0, hh)], i0a, semP),
            pltpu.async_copy(ai_hbm.at[wid, 1, pl.ds(0, hh)], i1a, semP),
            pltpu.async_copy(ai_hbm.at[wid, 0, pl.ds(hh, hh)], i0b, semP),
            pltpu.async_copy(ai_hbm.at[wid, 1, pl.ds(hh, hh)], i1b, semP),
            pltpu.async_copy(am_hbm.at[wid, 0], im0, semP),
            pltpu.async_copy(am_hbm.at[wid, 1], im1, semP),
        ]
        specs = (
            (i0a, ci0.at[pl.ds(0, hh)], imgs_hbm, semA),
            (i1a, ci1.at[pl.ds(0, hh)], imgs_hbm, semA),
            (i0b, ci0.at[pl.ds(hh, hh)], imgs_hbm, semB),
            (i1b, ci1.at[pl.ds(hh, hh)], imgs_hbm, semB),
            (im0, cm0, masks_hbm, semC),
            (im1, cm1, masks_hbm, semC),
        )
        cps = []
        for cp, (ib, cb, tab, sem) in zip(pre, specs):
            cp.wait()
            cps.append(pltpu.async_copy(tab.at[ib], cb, sem))
        cpw.wait()

        w0 = w_v[0]
        w1 = w_v[1]
        cps[0].wait()
        cps[1].wait()

        def ci(j, carry):
            s0 = pl.ds(j * 2 * _L, _L)
            s1 = pl.ds(j * 2 * _L + _L, _L)
            acc_i[s0] = w0 * ci0[s0] + w1 * ci1[s0]
            acc_i[s1] = w0 * ci0[s1] + w1 * ci1[s1]
            return carry

        lax.fori_loop(0, hh // (2 * _L), ci, 0)
        cps[2].wait()
        cps[3].wait()
        lax.fori_loop(hh // (2 * _L), dh // (2 * _L), ci, 0)
        pltpu.sync_copy(acc_i, oi_hbm.at[wid])
        cps[4].wait()
        cps[5].wait()

        def cm(j, carry):
            s0 = pl.ds(j * 2 * _L, _L)
            s1 = pl.ds(j * 2 * _L + _L, _L)
            acc_m[s0] = w0 * cm0[s0] + w1 * cm1[s0]
            acc_m[s1] = w0 * cm0[s1] + w1 * cm1[s1]
            return carry

        lax.fori_loop(0, mh // (2 * _L), cm, 0)
        pltpu.sync_copy(acc_m, om_hbm.at[wid])

    return k(imgs_flat, masks_flat, ai_flat, am_flat, wb)


def kernel(query_encoding, W1, b1, W2, b2, gallery_embeddings,
           gallery_images, gallery_masks):
    B = query_encoding.shape[0]
    N, C, H, W = gallery_images.shape
    D = C * H * W
    M = H * W
    R = 2 * B

    topk_idx, topk_w = _topk_tc(query_encoding, W1, b1, W2, b2,
                                gallery_embeddings)

    imgs_flat = (gallery_images.transpose(1, 2, 3, 0)
                 .reshape(C, H, W // _TR, _TR, N // _TC, _TC)
                 .transpose(0, 1, 2, 4, 3, 5).reshape(-1))
    masks_flat = (gallery_masks.transpose(1, 2, 0)
                  .reshape(H, W // _TR, _TR, N // _TC, _TC)
                  .transpose(0, 1, 3, 2, 4).reshape(-1))
    dh, mh = D // 2, M // 2
    rep_idx = jnp.repeat(topk_idx, 2, axis=0)
    wb = jnp.broadcast_to(
        jnp.repeat(topk_w, 2, axis=0)[:, :, None], (R, 2, _L))
    half = (jnp.arange(R, dtype=jnp.int32) % 2)
    key = (rep_idx // _TC) * 1024 + rep_idx % _TC
    qi = half[:, None, None] * dh + jnp.arange(dh, dtype=jnp.int32)
    ai = (qi // _TR) * 32768 + (qi % _TR) * _TC + key[:, :, None]
    qm = half[:, None, None] * mh + jnp.arange(mh, dtype=jnp.int32)
    am = (qm // _TR) * 32768 + (qm % _TR) * _TC + key[:, :, None]

    gi, gm = _gather_combine_sc(imgs_flat, masks_flat, ai, am, wb, dh, mh)

    guide_image = gi.reshape(B, C, H, W)
    guide_mask = gm.reshape(B, H, W)
    return guide_image, guide_mask

# --- scband reference (transcript-rebuilt; emitter-appended) ---
"""Pipeline reference for scband-joint-training-module-40261023433020 (READ-ONLY COPY).

The authoritative reference and input builder live on the scoring server;
editing this copy changes nothing except your own understanding.
"""

import jax, jax.numpy as jnp
import numpy as np

TAU = 0.1
EPS = 1e-8

def setup_inputs(seed: int = 0) -> dict:
    key = jax.random.key(seed)
    ks = jax.random.split(key, 8)
    B, Denc, Dh, Demb = 16, 768, 256, 128
    N, C, H, W = 4096, 3, 64, 64
    query_encoding = jax.random.normal(ks[0], (B, Denc), dtype=jnp.float32)
    W1 = jax.random.normal(ks[1], (Denc, Dh), dtype=jnp.float32) * (1.0 / np.sqrt(Denc))
    b1 = jnp.zeros((Dh,), dtype=jnp.float32)
    W2 = jax.random.normal(ks[2], (Dh, Demb), dtype=jnp.float32) * (1.0 / np.sqrt(Dh))
    b2 = jnp.zeros((Demb,), dtype=jnp.float32)
    gallery_embeddings = jax.random.normal(ks[3], (N, Demb), dtype=jnp.float32)
    gallery_images = jax.random.normal(ks[4], (N, C, H, W), dtype=jnp.float32)
    gallery_masks = jax.random.uniform(ks[5], (N, H, W), dtype=jnp.float32)
    return {"query_encoding": query_encoding, "W1": W1, "b1": b1, "W2": W2, "b2": b2,
            "gallery_embeddings": gallery_embeddings, "gallery_images": gallery_images,
            "gallery_masks": gallery_masks}

def reference(query_encoding, W1, b1, W2, b2, gallery_embeddings, gallery_images, gallery_masks):
    # SimCLR projection head (encoder CLS encoding -> embedding); Dropout is identity at eval.
    h = jnp.maximum(query_encoding @ W1 + b1, 0.0)
    q = h @ W2 + b2  # [B, Demb]
    # F.cosine_similarity(q.unsqueeze(1), g.unsqueeze(0), dim=-1) with eps=1e-8
    qn = q / jnp.clip(jnp.linalg.norm(q, axis=-1, keepdims=True), EPS)
    gn = gallery_embeddings / jnp.clip(jnp.linalg.norm(gallery_embeddings, axis=-1, keepdims=True), EPS)
    similarity = qn @ gn.T  # [B, N]
    topk_values, topk_indices = jax.lax.top_k(similarity, 2)
    softmax_weights = jax.nn.softmax(topk_values / TAU, axis=-1)
    B = similarity.shape[0]
    topk_weights = jnp.zeros_like(similarity).at[jnp.arange(B)[:, None], topk_indices].set(softmax_weights)
    guide_image = jnp.einsum('bn,nchw->bchw', topk_weights, gallery_images)
    guide_mask = jnp.einsum('bn,nhw->bhw', topk_weights, gallery_masks)
    return (guide_image, guide_mask)

if __name__ == "__main__":
    import jax
    _d = setup_inputs()
    print(jax.jit(kernel)(*tuple(_d.values())))

</pallas_src>

<mosaic_0001>
#map = affine_map<(d0, d1) -> (0)>
#map1 = affine_map<(d0, d1) -> (0, 0, 0)>
#map2 = affine_map<(d0, d1) -> (0, 0)>
module attributes {stable_mosaic.version = 14 : i64} {
  func.func @k(%arg0: i32, %arg1: i32, %arg2: memref<50331648xf32, #tpu.memory_space<hbm>>, %arg3: memref<16777216xf32, #tpu.memory_space<hbm>>, %arg4: memref<32x2x6144xi32, #tpu.memory_space<hbm>>, %arg5: memref<32x2x2048xi32, #tpu.memory_space<hbm>>, %arg6: memref<32x2x16xf32, #tpu.memory_space<hbm>>, %arg7: memref<32x6144xf32, #tpu.memory_space<hbm>>, %arg8: memref<32x2048xf32, #tpu.memory_space<hbm>>, %arg9: memref<2x16xf32, #tpu.memory_space<vmem>>, %arg10: memref<3072xi32, #tpu.memory_space<vmem>>, %arg11: memref<3072xi32, #tpu.memory_space<vmem>>, %arg12: memref<3072xi32, #tpu.memory_space<vmem>>, %arg13: memref<3072xi32, #tpu.memory_space<vmem>>, %arg14: memref<6144xf32, #tpu.memory_space<vmem>>, %arg15: memref<6144xf32, #tpu.memory_space<vmem>>, %arg16: memref<2048xi32, #tpu.memory_space<vmem>>, %arg17: memref<2048xi32, #tpu.memory_space<vmem>>, %arg18: memref<2048xf32, #tpu.memory_space<vmem>>, %arg19: memref<2048xf32, #tpu.memory_space<vmem>>, %arg20: memref<6144xf32, #tpu.memory_space<vmem>>, %arg21: memref<2048xf32, #tpu.memory_space<vmem>>, %arg22: memref<!tpu.dma_semaphore, #tpu.memory_space<semaphore_mem>>, %arg23: memref<!tpu.dma_semaphore, #tpu.memory_space<semaphore_mem>>, %arg24: memref<!tpu.dma_semaphore, #tpu.memory_space<semaphore_mem>>, %arg25: memref<!tpu.dma_semaphore, #tpu.memory_space<semaphore_mem>>) attributes {dimension_semantics = [#tpu.dimension_semantics<core_parallel>, #tpu.dimension_semantics<subcore_parallel>], iteration_bounds = array<i64: 2, 16>, scalar_prefetch = 0 : i64, scratch_operands = 17 : i64, tpu.core_type = #tpu.core_type<sc_vector_subcore>, window_params = [{transform_indices = #map}, {transform_indices = #map}, {transform_indices = #map1}, {transform_indices = #map1}, {transform_indices = #map1}, {transform_indices = #map2}, {transform_indices = #map2}]} {
    %mul3A = arith.constant 2 : i32
    %mul3A_0 = arith.muli %arg1, %mul3A : i32
    %add3A = arith.addi %mul3A_0, %arg0 : i32
    %dma_start3A = arith.constant 0 : i32
    %dma_start3A_1 = arith.constant 0 : i32
    %dma_start3A_2 = tpu.memref_slice %arg6[%add3A, %dma_start3A, %dma_start3A_1] : memref<32x2x16xf32, #tpu.memory_space<hbm>> -> memref<1x2x16xf32, #tpu.memory_space<hbm>>
    %dma_start3A_3 = tpu.memref_squeeze %dma_start3A_2 : memref<1x2x16xf32, #tpu.memory_space<hbm>> -> memref<2x16xf32, #tpu.memory_space<hbm>>
    %dma_start3A_4 = arith.constant 0 : i32
    %dma_start3A_5 = arith.constant 0 : i32
    %dma_start3A_6 = tpu.memref_slice %arg6[%add3A, %dma_start3A_4, %dma_start3A_5] : memref<32x2x16xf32, #tpu.memory_space<hbm>> -> memref<1x2x16xf32, #tpu.memory_space<hbm>>
    %dma_start3A_7 = tpu.memref_squeeze %dma_start3A_6 : memref<1x2x16xf32, #tpu.memory_space<hbm>> -> memref<2x16xf32, #tpu.memory_space<hbm>>
    tpu.enqueue_dma source(%dma_start3A_7 : memref<2x16xf32, #tpu.memory_space<hbm>>) target(%arg9 : memref<2x16xf32, #tpu.memory_space<vmem>>) target_semaphore(%arg25 : memref<!tpu.dma_semaphore, #tpu.memory_space<semaphore_mem>>)
    %dma_start3A_8 = arith.constant 0 : i32
    %dma_start3A_9 = arith.constant 0 : i32
    %dma_start3A_10 = tpu.memref_slice %arg4[%add3A, %dma_start3A_8, %dma_start3A_9] : memref<32x2x6144xi32, #tpu.memory_space<hbm>> -> memref<1x1x3072xi32, #tpu.memory_space<hbm>>
    %dma_start3A_11 = tpu.memref_squeeze %dma_start3A_10 : memref<1x1x3072xi32, #tpu.memory_space<hbm>> -> memref<3072xi32, #tpu.memory_space<hbm>>
    %dma_start3A_12 = arith.constant 0 : i32
    %dma_start3A_13 = tpu.memref_slice %arg4[%add3A, %dma_start3A_8, %dma_start3A_12] : memref<32x2x6144xi32, #tpu.memory_space<hbm>> -> memref<1x1x3072xi32, #tpu.memory_space<hbm>>
    %dma_start3A_14 = tpu.memref_squeeze %dma_start3A_13 : memref<1x1x3072xi32, #tpu.memory_space<hbm>> -> memref<3072xi32, #tpu.memory_space<hbm>>
    tpu.enqueue_dma source(%dma_start3A_14 : memref<3072xi32, #tpu.memory_space<hbm>>) target(%arg10 : memref<3072xi32, #tpu.memory_space<vmem>>) target_semaphore(%arg25 : memref<!tpu.dma_semaphore, #tpu.memory_space<semaphore_mem>>)
    %dma_start3A_15 = arith.constant 1 : i32
    %dma_start3A_16 = arith.constant 0 : i32
    %dma_start3A_17 = tpu.memref_slice %arg4[%add3A, %dma_start3A_15, %dma_start3A_16] : memref<32x2x6144xi32, #tpu.memory_space<hbm>> -> memref<1x1x3072xi32, #tpu.memory_space<hbm>>
    %dma_start3A_18 = tpu.memref_squeeze %dma_start3A_17 : memref<1x1x3072xi32, #tpu.memory_space<hbm>> -> memref<3072xi32, #tpu.memory_space<hbm>>
    %dma_start3A_19 = arith.constant 0 : i32
    %dma_start3A_20 = tpu.memref_slice %arg4[%add3A, %dma_start3A_15, %dma_start3A_19] : memref<32x2x6144xi32, #tpu.memory_space<hbm>> -> memref<1x1x3072xi32, #tpu.memory_space<hbm>>
    %dma_start3A_21 = tpu.memref_squeeze %dma_start3A_20 : memref<1x1x3072xi32, #tpu.memory_space<hbm>> -> memref<3072xi32, #tpu.memory_space<hbm>>
    tpu.enqueue_dma source(%dma_start3A_21 : memref<3072xi32, #tpu.memory_space<hbm>>) target(%arg12 : memref<3072xi32, #tpu.memory_space<vmem>>) target_semaphore(%arg25 : memref<!tpu.dma_semaphore, #tpu.memory_space<semaphore_mem>>)
    %dma_start3A_22 = arith.constant 0 : i32
    %dma_start3A_23 = arith.constant 3072 : i32
    %dma_start3A_24 = tpu.memref_slice %arg4[%add3A, %dma_start3A_22, %dma_start3A_23] : memref<32x2x6144xi32, #tpu.memory_space<hbm>> -> memref<1x1x3072xi32, #tpu.memory_space<hbm>>
    %dma_start3A_25 = tpu.memref_squeeze %dma_start3A_24 : memref<1x1x3072xi32, #tpu.memory_space<hbm>> -> memref<3072xi32, #tpu.memory_space<hbm>>
    %dma_start3A_26 = arith.constant 3072 : i32
    %dma_start3A_27 = tpu.memref_slice %arg4[%add3A, %dma_start3A_22, %dma_start3A_26] : memref<32x2x6144xi32, #tpu.memory_space<hbm>> -> memref<1x1x3072xi32, #tpu.memory_space<hbm>>
    %dma_start3A_28 = tpu.memref_squeeze %dma_start3A_27 : memref<1x1x3072xi32, #tpu.memory_space<hbm>> -> memref<3072xi32, #tpu.memory_space<hbm>>
    tpu.enqueue_dma source(%dma_start3A_28 : memref<3072xi32, #tpu.memory_space<hbm>>) target(%arg11 : memref<3072xi32, #tpu.memory_space<vmem>>) target_semaphore(%arg25 : memref<!tpu.dma_semaphore, #tpu.memory_space<semaphore_mem>>)
    %dma_start3A_29 = arith.constant 1 : i32
    %dma_start3A_30 = arith.constant 3072 : i32
    %dma_start3A_31 = tpu.memref_slice %arg4[%add3A, %dma_start3A_29, %dma_start3A_30] : memref<32x2x6144xi32, #tpu.memory_space<hbm>> -> memref<1x1x3072xi32, #tpu.memory_space<hbm>>
    %dma_start3A_32 = tpu.memref_squeeze %dma_start3A_31 : memref<1x1x3072xi32, #tpu.memory_space<hbm>> -> memref<3072xi32, #tpu.memory_space<hbm>>
    %dma_start3A_33 = arith.constant 3072 : i32
    %dma_start3A_34 = tpu.memref_slice %arg4[%add3A, %dma_start3A_29, %dma_start3A_33] : memref<32x2x6144xi32, #tpu.memory_space<hbm>> -> memref<1x1x3072xi32, #tpu.memory_space<hbm>>
    %dma_start3A_35 = tpu.memref_squeeze %dma_start3A_34 : memref<1x1x3072xi32, #tpu.memory_space<hbm>> -> memref<3072xi32, #tpu.memory_space<hbm>>
    tpu.enqueue_dma source(%dma_start3A_35 : memref<3072xi32, #tpu.memory_space<hbm>>) target(%arg13 : memref<3072xi32, #tpu.memory_space<vmem>>) target_semaphore(%arg25 : memref<!tpu.dma_semaphore, #tpu.memory_space<semaphore_mem>>)
    %dma_start3A_36 = arith.constant 0 : i32
    %dma_start3A_37 = arith.constant 0 : i32
    %dma_start3A_38 = tpu.memref_slice %arg5[%add3A, %dma_start3A_36, %dma_start3A_37] : memref<32x2x2048xi32, #tpu.memory_space<hbm>> -> memref<1x1x2048xi32, #tpu.memory_space<hbm>>
    %dma_start3A_39 = tpu.memref_squeeze %dma_start3A_38 : memref<1x1x2048xi32, #tpu.memory_space<hbm>> -> memref<2048xi32, #tpu.memory_space<hbm>>
    %dma_start3A_40 = arith.constant 0 : i32
    %dma_start3A_41 = tpu.memref_slice %arg5[%add3A, %dma_start3A_36, %dma_start3A_40] : memref<32x2x2048xi32, #tpu.memory_space<hbm>> -> memref<1x1x2048xi32, #tpu.memory_space<hbm>>
    %dma_start3A_42 = tpu.memref_squeeze %dma_start3A_41 : memref<1x1x2048xi32, #tpu.memory_space<hbm>> -> memref<2048xi32, #tpu.memory_space<hbm>>
    tpu.enqueue_dma source(%dma_start3A_42 : memref<2048xi32, #tpu.memory_space<hbm>>) target(%arg16 : memref<2048xi32, #tpu.memory_space<vmem>>) target_semaphore(%arg25 : memref<!tpu.dma_semaphore, #tpu.memory_space<semaphore_mem>>)
    %dma_start3A_43 = arith.constant 1 : i32
    %dma_start3A_44 = arith.constant 0 : i32
    %dma_start3A_45 = tpu.memref_slice %arg5[%add3A, %dma_start3A_43, %dma_start3A_44] : memref<32x2x2048xi32, #tpu.memory_space<hbm>> -> memref<1x1x2048xi32, #tpu.memory_space<hbm>>
    %dma_start3A_46 = tpu.memref_squeeze %dma_start3A_45 : memref<1x1x2048xi32, #tpu.memory_space<hbm>> -> memref<2048xi32, #tpu.memory_space<hbm>>
    %dma_start3A_47 = arith.constant 0 : i32
    %dma_start3A_48 = tpu.memref_slice %arg5[%add3A, %dma_start3A_43, %dma_start3A_47] : memref<32x2x2048xi32, #tpu.memory_space<hbm>> -> memref<1x1x2048xi32, #tpu.memory_space<hbm>>
    %dma_start3A_49 = tpu.memref_squeeze %dma_start3A_48 : memref<1x1x2048xi32, #tpu.memory_space<hbm>> -> memref<2048xi32, #tpu.memory_space<hbm>>
    tpu.enqueue_dma source(%dma_start3A_49 : memref<2048xi32, #tpu.memory_space<hbm>>) target(%arg17 : memref<2048xi32, #tpu.memory_space<vmem>>) target_semaphore(%arg25 : memref<!tpu.dma_semaphore, #tpu.memory_space<semaphore_mem>>)
    %dma_wait3A = arith.constant 0 : i32
    %dma_wait3A_50 = arith.constant 0 : i32
    %dma_wait3A_51 = tpu.memref_slice %arg4[%add3A, %dma_wait3A, %dma_wait3A_50] : memref<32x2x6144xi32, #tpu.memory_space<hbm>> -> memref<1x1x3072xi32, #tpu.memory_space<hbm>>
    %dma_wait3A_52 = tpu.memref_squeeze %dma_wait3A_51 : memref<1x1x3072xi32, #tpu.memory_space<hbm>> -> memref<3072xi32, #tpu.memory_space<hbm>>
    %dma_wait3A_53 = arith.constant 0 : i32
    %dma_wait3A_54 = tpu.memref_slice %arg4[%add3A, %dma_wait3A, %dma_wait3A_53] : memref<32x2x6144xi32, #tpu.memory_space<hbm>> -> memref<1x1x3072xi32, #tpu.memory_space<hbm>>
    %dma_wait3A_55 = tpu.memref_squeeze %dma_wait3A_54 : memref<1x1x3072xi32, #tpu.memory_space<hbm>> -> memref<3072xi32, #tpu.memory_space<hbm>>
    tpu.wait_dma2 semaphore(%arg25 : memref<!tpu.dma_semaphore, #tpu.memory_space<semaphore_mem>>) src(%dma_wait3A_55 : memref<3072xi32, #tpu.memory_space<hbm>>) dst(%arg10 : memref<3072xi32, #tpu.memory_space<vmem>>)
    %dma_start3A_56 = arith.constant 0 : i32
    %dma_start3A_57 = tpu.memref_slice %arg14[%dma_start3A_56] : memref<6144xf32, #tpu.memory_space<vmem>> -> memref<3072xf32, #tpu.memory_space<vmem>>
    %dma_start3A_58 = arith.constant 0 : i32
    %dma_start3A_59 = tpu.memref_slice %arg2[%dma_start3A_58] : memref<50331648xf32, #tpu.memory_space<hbm>> -> memref<50331648xf32, #tpu.memory_space<hbm>>
    tpu.enqueue_indirect_dma source(%dma_start3A_59 : memref<50331648xf32, #tpu.memory_space<hbm>>) target(%dma_start3A_57 : memref<3072xf32, #tpu.memory_space<vmem>>) offsets(%arg10 : memref<3072xi32, #tpu.memory_space<vmem>>) semaphore(%arg22 : memref<!tpu.dma_semaphore, #tpu.memory_space<semaphore_mem>>)
    %dma_wait3A_60 = arith.constant 1 : i32
    %dma_wait3A_61 = arith.constant 0 : i32
    %dma_wait3A_62 = tpu.memref_slice %arg4[%add3A, %dma_wait3A_60, %dma_wait3A_61] : memref<32x2x6144xi32, #tpu.memory_space<hbm>> -> memref<1x1x3072xi32, #tpu.memory_space<hbm>>
    %dma_wait3A_63 = tpu.memref_squeeze %dma_wait3A_62 : memref<1x1x3072xi32, #tpu.memory_space<hbm>> -> memref<3072xi32, #tpu.memory_space<hbm>>
    %dma_wait3A_64 = arith.constant 0 : i32
    %dma_wait3A_65 = tpu.memref_slice %arg4[%add3A, %dma_wait3A_60, %dma_wait3A_64] : memref<32x2x6144xi32, #tpu.memory_space<hbm>> -> memref<1x1x3072xi32, #tpu.memory_space<hbm>>
    %dma_wait3A_66 = tpu.memref_squeeze %dma_wait3A_65 : memref<1x1x3072xi32, #tpu.memory_space<hbm>> -> memref<3072xi32, #tpu.memory_space<hbm>>
    tpu.wait_dma2 semaphore(%arg25 : memref<!tpu.dma_semaphore, #tpu.memory_space<semaphore_mem>>) src(%dma_wait3A_66 : memref<3072xi32, #tpu.memory_space<hbm>>) dst(%arg12 : memref<3072xi32, #tpu.memory_space<vmem>>)
    %dma_start3A_67 = arith.constant 0 : i32
    %dma_start3A_68 = tpu.memref_slice %arg15[%dma_start3A_67] : memref<6144xf32, #tpu.memory_space<vmem>> -> memref<3072xf32, #tpu.memory_space<vmem>>
    %dma_start3A_69 = arith.constant 0 : i32
    %dma_start3A_70 = tpu.memref_slice %arg2[%dma_start3A_69] : memref<50331648xf32, #tpu.memory_space<hbm>> -> memref<50331648xf32, #tpu.memory_space<hbm>>
    tpu.enqueue_indirect_dma source(%dma_start3A_70 : memref<50331648xf32, #tpu.memory_space<hbm>>) target(%dma_start3A_68 : memref<3072xf32, #tpu.memory_space<vmem>>) offsets(%arg12 : memref<3072xi32, #tpu.memory_space<vmem>>) semaphore(%arg22 : memref<!tpu.dma_semaphore, #tpu.memory_space<semaphore_mem>>)
    %dma_wait3A_71 = arith.constant 0 : i32
    %dma_wait3A_72 = arith.constant 3072 : i32
    %dma_wait3A_73 = tpu.memref_slice %arg4[%add3A, %dma_wait3A_71, %dma_wait3A_72] : memref<32x2x6144xi32, #tpu.memory_space<hbm>> -> memref<1x1x3072xi32, #tpu.memory_space<hbm>>
    %dma_wait3A_74 = tpu.memref_squeeze %dma_wait3A_73 : memref<1x1x3072xi32, #tpu.memory_space<hbm>> -> memref<3072xi32, #tpu.memory_space<hbm>>
    %dma_wait3A_75 = arith.constant 3072 : i32
    %dma_wait3A_76 = tpu.memref_slice %arg4[%add3A, %dma_wait3A_71, %dma_wait3A_75] : memref<32x2x6144xi32, #tpu.memory_space<hbm>> -> memref<1x1x3072xi32, #tpu.memory_space<hbm>>
    %dma_wait3A_77 = tpu.memref_squeeze %dma_wait3A_76 : memref<1x1x3072xi32, #tpu.memory_space<hbm>> -> memref<3072xi32, #tpu.memory_space<hbm>>
    tpu.wait_dma2 semaphore(%arg25 : memref<!tpu.dma_semaphore, #tpu.memory_space<semaphore_mem>>) src(%dma_wait3A_77 : memref<3072xi32, #tpu.memory_space<hbm>>) dst(%arg11 : memref<3072xi32, #tpu.memory_space<vmem>>)
    %dma_start3A_78 = arith.constant 3072 : i32
    %dma_start3A_79 = tpu.memref_slice %arg14[%dma_start3A_78] : memref<6144xf32, #tpu.memory_space<vmem>> -> memref<3072xf32, #tpu.memory_space<vmem>>
    %dma_start3A_80 = arith.constant 0 : i32
    %dma_start3A_81 = tpu.memref_slice %arg2[%dma_start3A_80] : memref<50331648xf32, #tpu.memory_space<hbm>> -> memref<50331648xf32, #tpu.memory_space<hbm>>
    tpu.enqueue_indirect_dma source(%dma_start3A_81 : memref<50331648xf32, #tpu.memory_space<hbm>>) target(%dma_start3A_79 : memref<3072xf32, #tpu.memory_space<vmem>>) offsets(%arg11 : memref<3072xi32, #tpu.memory_space<vmem>>) semaphore(%arg23 : memref<!tpu.dma_semaphore, #tpu.memory_space<semaphore_mem>>)
    %dma_wait3A_82 = arith.constant 1 : i32
    %dma_wait3A_83 = arith.constant 3072 : i32
    %dma_wait3A_84 = tpu.memref_slice %arg4[%add3A, %dma_wait3A_82, %dma_wait3A_83] : memref<32x2x6144xi32, #tpu.memory_space<hbm>> -> memref<1x1x3072xi32, #tpu.memory_space<hbm>>
    %dma_wait3A_85 = tpu.memref_squeeze %dma_wait3A_84 : memref<1x1x3072xi32, #tpu.memory_space<hbm>> -> memref<3072xi32, #tpu.memory_space<hbm>>
    %dma_wait3A_86 = arith.constant 3072 : i32
    %dma_wait3A_87 = tpu.memref_slice %arg4[%add3A, %dma_wait3A_82, %dma_wait3A_86] : memref<32x2x6144xi32, #tpu.memory_space<hbm>> -> memref<1x1x3072xi32, #tpu.memory_space<hbm>>
    %dma_wait3A_88 = tpu.memref_squeeze %dma_wait3A_87 : memref<1x1x3072xi32, #tpu.memory_space<hbm>> -> memref<3072xi32, #tpu.memory_space<hbm>>
    tpu.wait_dma2 semaphore(%arg25 : memref<!tpu.dma_semaphore, #tpu.memory_space<semaphore_mem>>) src(%dma_wait3A_88 : memref<3072xi32, #tpu.memory_space<hbm>>) dst(%arg13 : memref<3072xi32, #tpu.memory_space<vmem>>)
    %dma_start3A_89 = arith.constant 3072 : i32
    %dma_start3A_90 = tpu.memref_slice %arg15[%dma_start3A_89] : memref<6144xf32, #tpu.memory_space<vmem>> -> memref<3072xf32, #tpu.memory_space<vmem>>
    %dma_start3A_91 = arith.constant 0 : i32
    %dma_start3A_92 = tpu.memref_slice %arg2[%dma_start3A_91] : memref<50331648xf32, #tpu.memory_space<hbm>> -> memref<50331648xf32, #tpu.memory_space<hbm>>
    tpu.enqueue_indirect_dma source(%dma_start3A_92 : memref<50331648xf32, #tpu.memory_space<hbm>>) target(%dma_start3A_90 : memref<3072xf32, #tpu.memory_space<vmem>>) offsets(%arg13 : memref<3072xi32, #tpu.memory_space<vmem>>) semaphore(%arg23 : memref<!tpu.dma_semaphore, #tpu.memory_space<semaphore_mem>>)
    %dma_wait3A_93 = arith.constant 0 : i32
    %dma_wait3A_94 = arith.constant 0 : i32
    %dma_wait3A_95 = tpu.memref_slice %arg5[%add3A, %dma_wait3A_93, %dma_wait3A_94] : memref<32x2x2048xi32, #tpu.memory_space<hbm>> -> memref<1x1x2048xi32, #tpu.memory_space<hbm>>
    %dma_wait3A_96 = tpu.memref_squeeze %dma_wait3A_95 : memref<1x1x2048xi32, #tpu.memory_space<hbm>> -> memref<2048xi32, #tpu.memory_space<hbm>>
    %dma_wait3A_97 = arith.constant 0 : i32
    %dma_wait3A_98 = tpu.memref_slice %arg5[%add3A, %dma_wait3A_93, %dma_wait3A_97] : memref<32x2x2048xi32, #tpu.memory_space<hbm>> -> memref<1x1x2048xi32, #tpu.memory_space<hbm>>
    %dma_wait3A_99 = tpu.memref_squeeze %dma_wait3A_98 : memref<1x1x2048xi32, #tpu.memory_space<hbm>> -> memref<2048xi32, #tpu.memory_space<hbm>>
    tpu.wait_dma2 semaphore(%arg25 : memref<!tpu.dma_semaphore, #tpu.memory_space<semaphore_mem>>) src(%dma_wait3A_99 : memref<2048xi32, #tpu.memory_space<hbm>>) dst(%arg16 : memref<2048xi32, #tpu.memory_space<vmem>>)
    %dma_start3A_100 = arith.constant 0 : i32
    %dma_start3A_101 = tpu.memref_slice %arg3[%dma_start3A_100] : memref<16777216xf32, #tpu.memory_space<hbm>> -> memref<16777216xf32, #tpu.memory_space<hbm>>
    tpu.enqueue_indirect_dma source(%dma_start3A_101 : memref<16777216xf32, #tpu.memory_space<hbm>>) target(%arg18 : memref<2048xf32, #tpu.memory_space<vmem>>) offsets(%arg16 : memref<2048xi32, #tpu.memory_space<vmem>>) semaphore(%arg24 : memref<!tpu.dma_semaphore, #tpu.memory_space<semaphore_mem>>)
    %dma_wait3A_102 = arith.constant 1 : i32
    %dma_wait3A_103 = arith.constant 0 : i32
    %dma_wait3A_104 = tpu.memref_slice %arg5[%add3A, %dma_wait3A_102, %dma_wait3A_103] : memref<32x2x2048xi32, #tpu.memory_space<hbm>> -> memref<1x1x2048xi32, #tpu.memory_space<hbm>>
    %dma_wait3A_105 = tpu.memref_squeeze %dma_wait3A_104 : memref<1x1x2048xi32, #tpu.memory_space<hbm>> -> memref<2048xi32, #tpu.memory_space<hbm>>
    %dma_wait3A_106 = arith.constant 0 : i32
    %dma_wait3A_107 = tpu.memref_slice %arg5[%add3A, %dma_wait3A_102, %dma_wait3A_106] : memref<32x2x2048xi32, #tpu.memory_space<hbm>> -> memref<1x1x2048xi32, #tpu.memory_space<hbm>>
    %dma_wait3A_108 = tpu.memref_squeeze %dma_wait3A_107 : memref<1x1x2048xi32, #tpu.memory_space<hbm>> -> memref<2048xi32, #tpu.memory_space<hbm>>
    tpu.wait_dma2 semaphore(%arg25 : memref<!tpu.dma_semaphore, #tpu.memory_space<semaphore_mem>>) src(%dma_wait3A_108 : memref<2048xi32, #tpu.memory_space<hbm>>) dst(%arg17 : memref<2048xi32, #tpu.memory_space<vmem>>)
    %dma_start3A_109 = arith.constant 0 : i32
    %dma_start3A_110 = tpu.memref_slice %arg3[%dma_start3A_109] : memref<16777216xf32, #tpu.memory_space<hbm>> -> memref<16777216xf32, #tpu.memory_space<hbm>>
    tpu.enqueue_indirect_dma source(%dma_start3A_110 : memref<16777216xf32, #tpu.memory_space<hbm>>) target(%arg19 : memref<2048xf32, #tpu.memory_space<vmem>>) offsets(%arg17 : memref<2048xi32, #tpu.memory_space<vmem>>) semaphore(%arg24 : memref<!tpu.dma_semaphore, #tpu.memory_space<semaphore_mem>>)
    %dma_wait3A_111 = arith.constant 0 : i32
    %dma_wait3A_112 = arith.constant 0 : i32
    %dma_wait3A_113 = tpu.memref_slice %arg6[%add3A, %dma_wait3A_111, %dma_wait3A_112] : memref<32x2x16xf32, #tpu.memory_space<hbm>> -> memref<1x2x16xf32, #tpu.memory_space<hbm>>
    %dma_wait3A_114 = tpu.memref_squeeze %dma_wait3A_113 : memref<1x2x16xf32, #tpu.memory_space<hbm>> -> memref<2x16xf32, #tpu.memory_space<hbm>>
    %dma_wait3A_115 = arith.constant 0 : i32
    %dma_wait3A_116 = arith.constant 0 : i32
    %dma_wait3A_117 = tpu.memref_slice %arg6[%add3A, %dma_wait3A_115, %dma_wait3A_116] : memref<32x2x16xf32, #tpu.memory_space<hbm>> -> memref<1x2x16xf32, #tpu.memory_space<hbm>>
    %dma_wait3A_118 = tpu.memref_squeeze %dma_wait3A_117 : memref<1x2x16xf32, #tpu.memory_space<hbm>> -> memref<2x16xf32, #tpu.memory_space<hbm>>
    tpu.wait_dma2 semaphore(%arg25 : memref<!tpu.dma_semaphore, #tpu.memory_space<semaphore_mem>>) src(%dma_wait3A_118 : memref<2x16xf32, #tpu.memory_space<hbm>>) dst(%arg9 : memref<2x16xf32, #tpu.memory_space<vmem>>)
    %get3A = arith.constant 0 : i32
    %get3A_119 = arith.index_cast %get3A : i32 to index
    %get3A_120 = arith.constant 0 : index
    %get3A_121 = tpu.vector_load %arg9[%get3A_119, %get3A_120] {strides = array<i32>} : memref<2x16xf32, #tpu.memory_space<vmem>>, vector<1x16xf32>,
    %get3A_122 = vector.shape_cast %get3A_121 : vector<1x16xf32> to vector<16xf32>
    %get3A_123 = arith.constant 1 : i32
    %get3A_124 = arith.index_cast %get3A_123 : i32 to index
    %get3A_125 = arith.constant 0 : index
    %get3A_126 = tpu.vector_load %arg9[%get3A_124, %get3A_125] {strides = array<i32>} : memref<2x16xf32, #tpu.memory_space<vmem>>, vector<1x16xf32>,
    %get3A_127 = vector.shape_cast %get3A_126 : vector<1x16xf32> to vector<16xf32>
    %dma_wait3A_128 = arith.constant 0 : i32
    %dma_wait3A_129 = tpu.memref_slice %arg14[%dma_wait3A_128] : memref<6144xf32, #tpu.memory_space<vmem>> -> memref<3072xf32, #tpu.memory_space<vmem>>
    %dma_wait3A_130 = arith.constant 0 : i32
    %dma_wait3A_131 = tpu.memref_slice %arg2[%dma_wait3A_130] : memref<50331648xf32, #tpu.memory_space<hbm>> -> memref<50331648xf32, #tpu.memory_space<hbm>>
    tpu.wait_indirect_dma semaphore(%arg22 : memref<!tpu.dma_semaphore, #tpu.memory_space<semaphore_mem>>) src(%dma_wait3A_131 : memref<50331648xf32, #tpu.memory_space<hbm>>) dst(%dma_wait3A_129 : memref<3072xf32, #tpu.memory_space<vmem>>)
    %dma_wait3A_132 = arith.constant 0 : i32
    %dma_wait3A_133 = tpu.memref_slice %arg15[%dma_wait3A_132] : memref<6144xf32, #tpu.memory_space<vmem>> -> memref<3072xf32, #tpu.memory_space<vmem>>
    %dma_wait3A_134 = arith.constant 0 : i32
    %dma_wait3A_135 = tpu.memref_slice %arg2[%dma_wait3A_134] : memref<50331648xf32, #tpu.memory_space<hbm>> -> memref<50331648xf32, #tpu.memory_space<hbm>>
    tpu.wait_indirect_dma semaphore(%arg22 : memref<!tpu.dma_semaphore, #tpu.memory_space<semaphore_mem>>) src(%dma_wait3A_135 : memref<50331648xf32, #tpu.memory_space<hbm>>) dst(%dma_wait3A_133 : memref<3072xf32, #tpu.memory_space<vmem>>)
    %scan3A = arith.constant 0 : i32
    %scan3A_136 = arith.constant 0 : i32
    %scan3A_137 = arith.constant 96 : i32
    %scan3A_138 = arith.addi %scan3A_136, %scan3A_137 : i32
    %scan3A_139 = arith.constant 1 : i32
    scf.for %scan3A_165 = %scan3A_136 to %scan3A_138 step %scan3A_139  : i32 {
      %mul3A_166 = arith.constant 2 : i32
      %mul3A_167 = arith.muli %scan3A_165, %mul3A_166 : i32
      %mul3A_168 = arith.constant 16 : i32
      %mul3A_169 = arith.muli %mul3A_167, %mul3A_168 : i32
      %mul3A_170 = arith.constant 2 : i32
      %mul3A_171 = arith.muli %scan3A_165, %mul3A_170 : i32
      %mul3A_172 = arith.constant 16 : i32
      %mul3A_173 = arith.muli %mul3A_171, %mul3A_172 : i32
      %add3A_174 = arith.constant 16 : i32
      %add3A_175 = arith.addi %mul3A_173, %add3A_174 : i32
      %get3A_176 = arith.index_cast %mul3A_169 : i32 to index
      %get3A_177 = tpu.vector_load %arg14[%get3A_176] {strides = array<i32>} : memref<6144xf32, #tpu.memory_space<vmem>>, vector<16xf32>,
      %get3A_178 = vector.shape_cast %get3A_177 : vector<16xf32> to vector<16xf32>
      %mul3A_179 = arith.mulf %get3A_122, %get3A_178 : vector<16xf32>
      %get3A_180 = arith.index_cast %mul3A_169 : i32 to index
      %get3A_181 = tpu.vector_load %arg15[%get3A_180] {strides = array<i32>} : memref<6144xf32, #tpu.memory_space<vmem>>, vector<16xf32>,
      %get3A_182 = vector.shape_cast %get3A_181 : vector<16xf32> to vector<16xf32>
      %mul3A_183 = arith.mulf %get3A_127, %get3A_182 : vector<16xf32>
      %add3A_184 = arith.addf %mul3A_179, %mul3A_183 : vector<16xf32>
      %swap3A = arith.index_cast %mul3A_169 : i32 to index
      %swap3A_185 = tpu.vector_load %arg20[%swap3A] {strides = array<i32>} : memref<6144xf32, #tpu.memory_space<vmem>>, vector<16xf32>,
      %swap3A_186 = vector.shape_cast %swap3A_185 : vector<16xf32> to vector<16xf32>
      %swap3A_187 = vector.shape_cast %add3A_184 : vector<16xf32> to vector<16xf32>
      tpu.vector_store %arg20[%swap3A], %swap3A_187 {strides = array<i32>} : memref<6144xf32, #tpu.memory_space<vmem>>, vector<16xf32>,
      %get3A_188 = arith.index_cast %add3A_175 : i32 to index
      %get3A_189 = tpu.vector_load %arg14[%get3A_188] {strides = array<i32>} : memref<6144xf32, #tpu.memory_space<vmem>>, vector<16xf32>,
      %get3A_190 = vector.shape_cast %get3A_189 : vector<16xf32> to vector<16xf32>
      %mul3A_191 = arith.mulf %get3A_122, %get3A_190 : vector<16xf32>
      %get3A_192 = arith.index_cast %add3A_175 : i32 to index
      %get3A_193 = tpu.vector_load %arg15[%get3A_192] {strides = array<i32>} : memref<6144xf32, #tpu.memory_space<vmem>>, vector<16xf32>,
      %get3A_194 = vector.shape_cast %get3A_193 : vector<16xf32> to vector<16xf32>
      %mul3A_195 = arith.mulf %get3A_127, %get3A_194 : vector<16xf32>
      %add3A_196 = arith.addf %mul3A_191, %mul3A_195 : vector<16xf32>
      %swap3A_197 = arith.index_cast %add3A_175 : i32 to index
      %swap3A_198 = tpu.vector_load %arg20[%swap3A_197] {strides = array<i32>} : memref<6144xf32, #tpu.memory_space<vmem>>, vector<16xf32>,
      %swap3A_199 = vector.shape_cast %swap3A_198 : vector<16xf32> to vector<16xf32>
      %swap3A_200 = vector.shape_cast %add3A_196 : vector<16xf32> to vector<16xf32>
      tpu.vector_store %arg20[%swap3A_197], %swap3A_200 {strides = array<i32>} : memref<6144xf32, #tpu.memory_space<vmem>>, vector<16xf32>,
    }
    %scan3A_140 = arith.constant 96 : i32
    %dma_wait3A_141 = arith.constant 3072 : i32
    %dma_wait3A_142 = tpu.memref_slice %arg14[%dma_wait3A_141] : memref<6144xf32, #tpu.memory_space<vmem>> -> memref<3072xf32, #tpu.memory_space<vmem>>
    %dma_wait3A_143 = arith.constant 0 : i32
    %dma_wait3A_144 = tpu.memref_slice %arg2[%dma_wait3A_143] : memref<50331648xf32, #tpu.memory_space<hbm>> -> memref<50331648xf32, #tpu.memory_space<hbm>>
    tpu.wait_indirect_dma semaphore(%arg23 : memref<!tpu.dma_semaphore, #tpu.memory_space<semaphore_mem>>) src(%dma_wait3A_144 : memref<50331648xf32, #tpu.memory_space<hbm>>) dst(%dma_wait3A_142 : memref<3072xf32, #tpu.memory_space<vmem>>)
    %dma_wait3A_145 = arith.constant 3072 : i32
    %dma_wait3A_146 = tpu.memref_slice %arg15[%dma_wait3A_145] : memref<6144xf32, #tpu.memory_space<vmem>> -> memref<3072xf32, #tpu.memory_space<vmem>>
    %dma_wait3A_147 = arith.constant 0 : i32
    %dma_wait3A_148 = tpu.memref_slice %arg2[%dma_wait3A_147] : memref<50331648xf32, #tpu.memory_space<hbm>> -> memref<50331648xf32, #tpu.memory_space<hbm>>
    tpu.wait_indirect_dma semaphore(%arg23 : memref<!tpu.dma_semaphore, #tpu.memory_space<semaphore_mem>>) src(%dma_wait3A_148 : memref<50331648xf32, #tpu.memory_space<hbm>>) dst(%dma_wait3A_146 : memref<3072xf32, #tpu.memory_space<vmem>>)
    %scan3A_149 = arith.constant 0 : i32
    %scan3A_150 = arith.constant 96 : i32
    %scan3A_151 = arith.constant 96 : i32
    %scan3A_152 = arith.addi %scan3A_150, %scan3A_151 : i32
    %scan3A_153 = arith.constant 1 : i32
    scf.for %scan3A_165 = %scan3A_150 to %scan3A_152 step %scan3A_153  : i32 {
      %mul3A_166 = arith.constant 2 : i32
      %mul3A_167 = arith.muli %scan3A_165, %mul3A_166 : i32
      %mul3A_168 = arith.constant 16 : i32
      %mul3A_169 = arith.muli %mul3A_167, %mul3A_168 : i32
      %mul3A_170 = arith.constant 2 : i32
      %mul3A_171 = arith.muli %scan3A_165, %mul3A_170 : i32
      %mul3A_172 = arith.constant 16 : i32
      %mul3A_173 = arith.muli %mul3A_171, %mul3A_172 : i32
      %add3A_174 = arith.constant 16 : i32
      %add3A_175 = arith.addi %mul3A_173, %add3A_174 : i32
      %get3A_176 = arith.index_cast %mul3A_169 : i32 to index
      %get3A_177 = tpu.vector_load %arg14[%get3A_176] {strides = array<i32>} : memref<6144xf32, #tpu.memory_space<vmem>>, vector<16xf32>,
      %get3A_178 = vector.shape_cast %get3A_177 : vector<16xf32> to vector<16xf32>
      %mul3A_179 = arith.mulf %get3A_122, %get3A_178 : vector<16xf32>
      %get3A_180 = arith.index_cast %mul3A_169 : i32 to index
      %get3A_181 = tpu.vector_load %arg15[%get3A_180] {strides = array<i32>} : memref<6144xf32, #tpu.memory_space<vmem>>, vector<16xf32>,
      %get3A_182 = vector.shape_cast %get3A_181 : vector<16xf32> to vector<16xf32>
      %mul3A_183 = arith.mulf %get3A_127, %get3A_182 : vector<16xf32>
      %add3A_184 = arith.addf %mul3A_179, %mul3A_183 : vector<16xf32>
      %swap3A = arith.index_cast %mul3A_169 : i32 to index
      %swap3A_185 = tpu.vector_load %arg20[%swap3A] {strides = array<i32>} : memref<6144xf32, #tpu.memory_space<vmem>>, vector<16xf32>,
      %swap3A_186 = vector.shape_cast %swap3A_185 : vector<16xf32> to vector<16xf32>
      %swap3A_187 = vector.shape_cast %add3A_184 : vector<16xf32> to vector<16xf32>
      tpu.vector_store %arg20[%swap3A], %swap3A_187 {strides = array<i32>} : memref<6144xf32, #tpu.memory_space<vmem>>, vector<16xf32>,
      %get3A_188 = arith.index_cast %add3A_175 : i32 to index
      %get3A_189 = tpu.vector_load %arg14[%get3A_188] {strides = array<i32>} : memref<6144xf32, #tpu.memory_space<vmem>>, vector<16xf32>,
      %get3A_190 = vector.shape_cast %get3A_189 : vector<16xf32> to vector<16xf32>
      %mul3A_191 = arith.mulf %get3A_122, %get3A_190 : vector<16xf32>
      %get3A_192 = arith.index_cast %add3A_175 : i32 to index
      %get3A_193 = tpu.vector_load %arg15[%get3A_192] {strides = array<i32>} : memref<6144xf32, #tpu.memory_space<vmem>>, vector<16xf32>,
      %get3A_194 = vector.shape_cast %get3A_193 : vector<16xf32> to vector<16xf32>
      %mul3A_195 = arith.mulf %get3A_127, %get3A_194 : vector<16xf32>
      %add3A_196 = arith.addf %mul3A_191, %mul3A_195 : vector<16xf32>
      %swap3A_197 = arith.index_cast %add3A_175 : i32 to index
      %swap3A_198 = tpu.vector_load %arg20[%swap3A_197] {strides = array<i32>} : memref<6144xf32, #tpu.memory_space<vmem>>, vector<16xf32>,
      %swap3A_199 = vector.shape_cast %swap3A_198 : vector<16xf32> to vector<16xf32>
      %swap3A_200 = vector.shape_cast %add3A_196 : vector<16xf32> to vector<16xf32>
      tpu.vector_store %arg20[%swap3A_197], %swap3A_200 {strides = array<i32>} : memref<6144xf32, #tpu.memory_space<vmem>>, vector<16xf32>,
    }
    %scan3A_154 = arith.constant 96 : i32
    "tpu.region"() ({
      %run_scoped3A = tpu.sem_alloc : memref<!tpu.dma_semaphore, #tpu.memory_space<semaphore_mem>>
      %dma_start3A_165 = arith.constant 0 : i32
      %dma_start3A_166 = tpu.memref_slice %arg7[%add3A, %dma_start3A_165] : memref<32x6144xf32, #tpu.memory_space<hbm>> -> memref<1x6144xf32, #tpu.memory_space<hbm>>
      %dma_start3A_167 = tpu.memref_squeeze %dma_start3A_166 : memref<1x6144xf32, #tpu.memory_space<hbm>> -> memref<6144xf32, #tpu.memory_space<hbm>>
      %dma_start3A_168 = arith.constant 0 : i32
      %dma_start3A_169 = tpu.memref_slice %arg7[%add3A, %dma_start3A_168] : memref<32x6144xf32, #tpu.memory_space<hbm>> -> memref<1x6144xf32, #tpu.memory_space<hbm>>
      %dma_start3A_170 = tpu.memref_squeeze %dma_start3A_169 : memref<1x6144xf32, #tpu.memory_space<hbm>> -> memref<6144xf32, #tpu.memory_space<hbm>>
      tpu.enqueue_dma source(%arg20 : memref<6144xf32, #tpu.memory_space<vmem>>) target(%dma_start3A_170 : memref<6144xf32, #tpu.memory_space<hbm>>) target_semaphore(%run_scoped3A : memref<!tpu.dma_semaphore, #tpu.memory_space<semaphore_mem>>)
      %dma_wait3A_171 = arith.constant 0 : i32
      %dma_wait3A_172 = tpu.memref_slice %arg7[%add3A, %dma_wait3A_171] : memref<32x6144xf32, #tpu.memory_space<hbm>> -> memref<1x6144xf32, #tpu.memory_space<hbm>>
      %dma_wait3A_173 = tpu.memref_squeeze %dma_wait3A_172 : memref<1x6144xf32, #tpu.memory_space<hbm>> -> memref<6144xf32, #tpu.memory_space<hbm>>
      %dma_wait3A_174 = arith.constant 0 : i32
      %dma_wait3A_175 = tpu.memref_slice %arg7[%add3A, %dma_wait3A_174] : memref<32x6144xf32, #tpu.memory_space<hbm>> -> memref<1x6144xf32, #tpu.memory_space<hbm>>
      %dma_wait3A_176 = tpu.memref_squeeze %dma_wait3A_175 : memref<1x6144xf32, #tpu.memory_space<hbm>> -> memref<6144xf32, #tpu.memory_space<hbm>>
      tpu.wait_dma2 semaphore(%run_scoped3A : memref<!tpu.dma_semaphore, #tpu.memory_space<semaphore_mem>>) src(%arg20 : memref<6144xf32, #tpu.memory_space<vmem>>) dst(%dma_wait3A_176 : memref<6144xf32, #tpu.memory_space<hbm>>)
      tpu.yield
    }) : () -> ()
    %dma_wait3A_155 = arith.constant 0 : i32
    %dma_wait3A_156 = tpu.memref_slice %arg3[%dma_wait3A_155] : memref<16777216xf32, #tpu.memory_space<hbm>> -> memref<16777216xf32, #tpu.memory_space<hbm>>
    tpu.wait_indirect_dma semaphore(%arg24 : memref<!tpu.dma_semaphore, #tpu.memory_space<semaphore_mem>>) src(%dma_wait3A_156 : memref<16777216xf32, #tpu.memory_space<hbm>>) dst(%arg18 : memref<2048xf32, #tpu.memory_space<vmem>>)
    %dma_wait3A_157 = arith.constant 0 : i32
    %dma_wait3A_158 = tpu.memref_slice %arg3[%dma_wait3A_157] : memref<16777216xf32, #tpu.memory_space<hbm>> -> memref<16777216xf32, #tpu.memory_space<hbm>>
    tpu.wait_indirect_dma semaphore(%arg24 : memref<!tpu.dma_semaphore, #tpu.memory_space<semaphore_mem>>) src(%dma_wait3A_158 : memref<16777216xf32, #tpu.memory_space<hbm>>) dst(%arg19 : memref<2048xf32, #tpu.memory_space<vmem>>)
    %scan3A_159 = arith.constant 0 : i32
    %scan3A_160 = arith.constant 0 : i32
    %scan3A_161 = arith.constant 64 : i32
    %scan3A_162 = arith.addi %scan3A_160, %scan3A_161 : i32
    %scan3A_163 = arith.constant 1 : i32
    scf.for %scan3A_165 = %scan3A_160 to %scan3A_162 step %scan3A_163  : i32 {
      %mul3A_166 = arith.constant 2 : i32
      %mul3A_167 = arith.muli %scan3A_165, %mul3A_166 : i32
      %mul3A_168 = arith.constant 16 : i32
      %mul3A_169 = arith.muli %mul3A_167, %mul3A_168 : i32
      %mul3A_170 = arith.constant 2 : i32
      %mul3A_171 = arith.muli %scan3A_165, %mul3A_170 : i32
      %mul3A_172 = arith.constant 16 : i32
      %mul3A_173 = arith.muli %mul3A_171, %mul3A_172 : i32
      %add3A_174 = arith.constant 16 : i32
      %add3A_175 = arith.addi %mul3A_173, %add3A_174 : i32
      %get3A_176 = arith.index_cast %mul3A_169 : i32 to index
      %get3A_177 = tpu.vector_load %arg18[%get3A_176] {strides = array<i32>} : memref<2048xf32, #tpu.memory_space<vmem>>, vector<16xf32>,
      %get3A_178 = vector.shape_cast %get3A_177 : vector<16xf32> to vector<16xf32>
      %mul3A_179 = arith.mulf %get3A_122, %get3A_178 : vector<16xf32>
      %get3A_180 = arith.index_cast %mul3A_169 : i32 to index
      %get3A_181 = tpu.vector_load %arg19[%get3A_180] {strides = array<i32>} : memref<2048xf32, #tpu.memory_space<vmem>>, vector<16xf32>,
      %get3A_182 = vector.shape_cast %get3A_181 : vector<16xf32> to vector<16xf32>
      %mul3A_183 = arith.mulf %get3A_127, %get3A_182 : vector<16xf32>
      %add3A_184 = arith.addf %mul3A_179, %mul3A_183 : vector<16xf32>
      %swap3A = arith.index_cast %mul3A_169 : i32 to index
      %swap3A_185 = tpu.vector_load %arg21[%swap3A] {strides = array<i32>} : memref<2048xf32, #tpu.memory_space<vmem>>, vector<16xf32>,
      %swap3A_186 = vector.shape_cast %swap3A_185 : vector<16xf32> to vector<16xf32>
      %swap3A_187 = vector.shape_cast %add3A_184 : vector<16xf32> to vector<16xf32>
      tpu.vector_store %arg21[%swap3A], %swap3A_187 {strides = array<i32>} : memref<2048xf32, #tpu.memory_space<vmem>>, vector<16xf32>,
      %get3A_188 = arith.index_cast %add3A_175 : i32 to index
      %get3A_189 = tpu.vector_load %arg18[%get3A_188] {strides = array<i32>} : memref<2048xf32, #tpu.memory_space<vmem>>, vector<16xf32>,
      %get3A_190 = vector.shape_cast %get3A_189 : vector<16xf32> to vector<16xf32>
      %mul3A_191 = arith.mulf %get3A_122, %get3A_190 : vector<16xf32>
      %get3A_192 = arith.index_cast %add3A_175 : i32 to index
      %get3A_193 = tpu.vector_load %arg19[%get3A_192] {strides = array<i32>} : memref<2048xf32, #tpu.memory_space<vmem>>, vector<16xf32>,
      %get3A_194 = vector.shape_cast %get3A_193 : vector<16xf32> to vector<16xf32>
      %mul3A_195 = arith.mulf %get3A_127, %get3A_194 : vector<16xf32>
      %add3A_196 = arith.addf %mul3A_191, %mul3A_195 : vector<16xf32>
      %swap3A_197 = arith.index_cast %add3A_175 : i32 to index
      %swap3A_198 = tpu.vector_load %arg21[%swap3A_197] {strides = array<i32>} : memref<2048xf32, #tpu.memory_space<vmem>>, vector<16xf32>,
      %swap3A_199 = vector.shape_cast %swap3A_198 : vector<16xf32> to vector<16xf32>
      %swap3A_200 = vector.shape_cast %add3A_196 : vector<16xf32> to vector<16xf32>
      tpu.vector_store %arg21[%swap3A_197], %swap3A_200 {strides = array<i32>} : memref<2048xf32, #tpu.memory_space<vmem>>, vector<16xf32>,
    }
    %scan3A_164 = arith.constant 64 : i32
    "tpu.region"() ({
      %run_scoped3A = tpu.sem_alloc : memref<!tpu.dma_semaphore, #tpu.memory_space<semaphore_mem>>
      %dma_start3A_165 = arith.constant 0 : i32
      %dma_start3A_166 = tpu.memref_slice %arg8[%add3A, %dma_start3A_165] : memref<32x2048xf32, #tpu.memory_space<hbm>> -> memref<1x2048xf32, #tpu.memory_space<hbm>>
      %dma_start3A_167 = tpu.memref_squeeze %dma_start3A_166 : memref<1x2048xf32, #tpu.memory_space<hbm>> -> memref<2048xf32, #tpu.memory_space<hbm>>
      %dma_start3A_168 = arith.constant 0 : i32
      %dma_start3A_169 = tpu.memref_slice %arg8[%add3A, %dma_start3A_168] : memref<32x2048xf32, #tpu.memory_space<hbm>> -> memref<1x2048xf32, #tpu.memory_space<hbm>>
      %dma_start3A_170 = tpu.memref_squeeze %dma_start3A_169 : memref<1x2048xf32, #tpu.memory_space<hbm>> -> memref<2048xf32, #tpu.memory_space<hbm>>
      tpu.enqueue_dma source(%arg21 : memref<2048xf32, #tpu.memory_space<vmem>>) target(%dma_start3A_170 : memref<2048xf32, #tpu.memory_space<hbm>>) target_semaphore(%run_scoped3A : memref<!tpu.dma_semaphore, #tpu.memory_space<semaphore_mem>>)
      %dma_wait3A_171 = arith.constant 0 : i32
      %dma_wait3A_172 = tpu.memref_slice %arg8[%add3A, %dma_wait3A_171] : memref<32x2048xf32, #tpu.memory_space<hbm>> -> memref<1x2048xf32, #tpu.memory_space<hbm>>
      %dma_wait3A_173 = tpu.memref_squeeze %dma_wait3A_172 : memref<1x2048xf32, #tpu.memory_space<hbm>> -> memref<2048xf32, #tpu.memory_space<hbm>>
      %dma_wait3A_174 = arith.constant 0 : i32
      %dma_wait3A_175 = tpu.memref_slice %arg8[%add3A, %dma_wait3A_174] : memref<32x2048xf32, #tpu.memory_space<hbm>> -> memref<1x2048xf32, #tpu.memory_space<hbm>>
      %dma_wait3A_176 = tpu.memref_squeeze %dma_wait3A_175 : memref<1x2048xf32, #tpu.memory_space<hbm>> -> memref<2048xf32, #tpu.memory_space<hbm>>
      tpu.wait_dma2 semaphore(%run_scoped3A : memref<!tpu.dma_semaphore, #tpu.memory_space<semaphore_mem>>) src(%arg21 : memref<2048xf32, #tpu.memory_space<vmem>>) dst(%dma_wait3A_176 : memref<2048xf32, #tpu.memory_space<hbm>>)
      tpu.yield
    }) : () -> ()
    return
  }
}

module attributes {stable_mosaic.version = 14 : i64} {
  func.func @_topk_body(%arg0: memref<16x768xf32, #tpu.memory_space<vmem>>, %arg1: memref<768x256xf32, #tpu.memory_space<vmem>>, %arg2: memref<256xf32, #tpu.memory_space<vmem>>, %arg3: memref<256x128xf32, #tpu.memory_space<vmem>>, %arg4: memref<128xf32, #tpu.memory_space<vmem>>, %arg5: memref<4096x128xf32, #tpu.memory_space<vmem>>, %arg6: memref<16x2xi32, #tpu.memory_space<vmem>>, %arg7: memref<16x2xf32, #tpu.memory_space<vmem>>) attributes {dimension_semantics = [], scalar_prefetch = 0 : i64, scratch_operands = 0 : i64, tpu.core_type = #tpu.core_type<tc>} {
    %get3A = arith.constant 0 : index
    %get3A_0 = arith.constant 0 : index
    %get3A_1 = vector.load %arg0[%get3A, %get3A_0] : memref<16x768xf32, #tpu.memory_space<vmem>>, vector<16x768xf32>
    %get3A_2 = arith.constant 0 : index
    %get3A_3 = arith.constant 0 : index
    %get3A_4 = vector.load %arg1[%get3A_2, %get3A_3] : memref<768x256xf32, #tpu.memory_space<vmem>>, vector<768x256xf32>
    %dot_general3A = arith.constant dense<0.000000e+00> : vector<16x256xf32>
    %dot_general3A_5 = tpu.matmul %get3A_1, %get3A_4, %dot_general3A {dimension_numbers = #tpu.dot_dimension_numbers<[1], [0], [0], [1], [0, 0, 1, 1], [], []>, transpose_lhs_hint = false} : vector<16x768xf32>, vector<768x256xf32>, vector<16x256xf32> -> vector<16x256xf32>
    %get3A_6 = arith.constant 0 : index
    %get3A_7 = vector.load %arg2[%get3A_6] : memref<256xf32, #tpu.memory_space<vmem>>, vector<256xf32>
    %broadcast_in_dim3A = vector.shape_cast %get3A_7 : vector<256xf32> to vector<1x256xf32>
    %add3A = vector.broadcast %broadcast_in_dim3A : vector<1x256xf32> to vector<16x256xf32>
    %add3A_8 = arith.addf %dot_general3A_5, %add3A : vector<16x256xf32>
    %max3A = arith.constant 0.000000e+00 : f32
    %max3A_9 = vector.broadcast %max3A : f32 to vector<16x256xf32>
    %max3A_10 = arith.maximumf %add3A_8, %max3A_9 : vector<16x256xf32>
    %get3A_11 = arith.constant 0 : index
    %get3A_12 = arith.constant 0 : index
    %get3A_13 = vector.load %arg3[%get3A_11, %get3A_12] : memref<256x128xf32, #tpu.memory_space<vmem>>, vector<256x128xf32>
    %dot_general3A_14 = arith.constant dense<0.000000e+00> : vector<16x128xf32>
    %dot_general3A_15 = tpu.matmul %max3A_10, %get3A_13, %dot_general3A_14 {dimension_numbers = #tpu.dot_dimension_numbers<[1], [0], [0], [1], [0, 0, 1, 1], [], []>, transpose_lhs_hint = false} : vector<16x256xf32>, vector<256x128xf32>, vector<16x128xf32> -> vector<16x128xf32>
    %get3A_16 = arith.constant 0 : index
    %get3A_17 = vector.load %arg4[%get3A_16] : memref<128xf32, #tpu.memory_space<vmem>>, vector<128xf32>
    %broadcast_in_dim3A_18 = vector.shape_cast %get3A_17 : vector<128xf32> to vector<1x128xf32>
    %add3A_19 = vector.broadcast %broadcast_in_dim3A_18 : vector<1x128xf32> to vector<16x128xf32>
    %add3A_20 = arith.addf %dot_general3A_15, %add3A_19 : vector<16x128xf32>
    %mul3A = arith.mulf %add3A_20, %add3A_20 : vector<16x128xf32>
    %reduce_sum3A = arith.constant dense<0.000000e+00> : vector<16xf32>
    %reduce_sum3A_21 = vector.multi_reduction <add>, %mul3A, %reduce_sum3A [1] : vector<16x128xf32> to vector<16xf32>
    %broadcast_in_dim3A_22 = vector.shape_cast %reduce_sum3A_21 : vector<16xf32> to vector<16x1xf32>
    %sqrt3A = math.sqrt %broadcast_in_dim3A_22 : vector<16x1xf32>
    %max3A_23 = arith.constant 9.99999993E-9 : f32
    %max3A_24 = vector.broadcast %max3A_23 : f32 to vector<16x1xf32>
    %max3A_25 = arith.maximumf %sqrt3A, %max3A_24 : vector<16x1xf32>
    %div3A = vector.broadcast %max3A_25 : vector<16x1xf32> to vector<16x128xf32>
    %div3A_26 = arith.divf %add3A_20, %div3A : vector<16x128xf32>
    %get3A_27 = arith.constant 0 : index
    %get3A_28 = arith.constant 0 : index
    %get3A_29 = vector.load %arg5[%get3A_27, %get3A_28] : memref<4096x128xf32, #tpu.memory_space<vmem>>, vector<4096x128xf32>
    %mul3A_30 = arith.mulf %get3A_29, %get3A_29 : vector<4096x128xf32>
    %reduce_sum3A_31 = arith.constant dense<0.000000e+00> : vector<4096xf32>
    %reduce_sum3A_32 = vector.multi_reduction <add>, %mul3A_30, %reduce_sum3A_31 [1] : vector<4096x128xf32> to vector<4096xf32>
    %broadcast_in_dim3A_33 = vector.shape_cast %reduce_sum3A_32 : vector<4096xf32> to vector<4096x1xf32>
    %sqrt3A_34 = math.sqrt %broadcast_in_dim3A_33 : vector<4096x1xf32>
    %max3A_35 = arith.constant 9.99999993E-9 : f32
    %max3A_36 = vector.broadcast %max3A_35 : f32 to vector<4096x1xf32>
    %max3A_37 = arith.maximumf %sqrt3A_34, %max3A_36 : vector<4096x1xf32>
    %div3A_38 = vector.broadcast %max3A_37 : vector<4096x1xf32> to vector<4096x128xf32>
    %div3A_39 = arith.divf %get3A_29, %div3A_38 : vector<4096x128xf32>
    %dot_general3A_40 = arith.constant dense<0.000000e+00> : vector<16x4096xf32>
    %dot_general3A_41 = tpu.matmul %div3A_26, %div3A_39, %dot_general3A_40 {dimension_numbers = #tpu.dot_dimension_numbers<[1], [1], [0], [0], [0, 0, 1, 0], [], []>, transpose_lhs_hint = false} : vector<16x128xf32>, vector<4096x128xf32>, vector<16x4096xf32> -> vector<16x4096xf32>
    %iota3A = tpu.iota {dimensions = array<i32: 1>} : vector<16x4096xi32>
    %reduce_max3A = arith.constant dense<0xFF800000> : vector<16xf32>
    %reduce_max3A_42 = vector.multi_reduction <maximumf>, %dot_general3A_41, %reduce_max3A [1] : vector<16x4096xf32> to vector<16xf32>
    %broadcast_in_dim3A_43 = vector.shape_cast %reduce_max3A_42 : vector<16xf32> to vector<16x1xf32>
    %eq3A = vector.broadcast %broadcast_in_dim3A_43 : vector<16x1xf32> to vector<16x4096xf32>
    %eq3A_44 = arith.cmpf oeq, %dot_general3A_41, %eq3A : vector<16x4096xf32>
    %jit3A = arith.constant 4096 : i32
    %broadcast_in_dim3A_45 = vector.broadcast %jit3A : i32 to vector<16x4096xi32>
    %select_n3A = arith.select %eq3A_44, %iota3A, %broadcast_in_dim3A_45 : vector<16x4096xi1>, vector<16x4096xi32>
    %reduce_min3A = arith.constant dense<2147483647> : vector<16xi32>
    %reduce_min3A_46 = vector.multi_reduction <minsi>, %select_n3A, %reduce_min3A [1] : vector<16x4096xi32> to vector<16xi32>
    %broadcast_in_dim3A_47 = vector.shape_cast %reduce_min3A_46 : vector<16xi32> to vector<16x1xi32>
    %eq3A_48 = vector.broadcast %broadcast_in_dim3A_47 : vector<16x1xi32> to vector<16x4096xi32>
    %eq3A_49 = arith.cmpi eq, %iota3A, %eq3A_48 : vector<16x4096xi32>
    %jit3A_50 = arith.constant 0xFF800000 : f32
    %broadcast_in_dim3A_51 = vector.broadcast %jit3A_50 : f32 to vector<16x4096xf32>
    %select_n3A_52 = arith.select %eq3A_49, %broadcast_in_dim3A_51, %dot_general3A_41 : vector<16x4096xi1>, vector<16x4096xf32>
    %reduce_max3A_53 = arith.constant dense<0xFF800000> : vector<16xf32>
    %reduce_max3A_54 = vector.multi_reduction <maximumf>, %select_n3A_52, %reduce_max3A_53 [1] : vector<16x4096xf32> to vector<16xf32>
    %broadcast_in_dim3A_55 = vector.shape_cast %reduce_max3A_54 : vector<16xf32> to vector<16x1xf32>
    %eq3A_56 = vector.broadcast %broadcast_in_dim3A_55 : vector<16x1xf32> to vector<16x4096xf32>
    %eq3A_57 = arith.cmpf oeq, %select_n3A_52, %eq3A_56 : vector<16x4096xf32>
    %jit3A_58 = arith.constant 4096 : i32
    %broadcast_in_dim3A_59 = vector.broadcast %jit3A_58 : i32 to vector<16x4096xi32>
    %select_n3A_60 = arith.select %eq3A_57, %iota3A, %broadcast_in_dim3A_59 : vector<16x4096xi1>, vector<16x4096xi32>
    %reduce_min3A_61 = arith.constant dense<2147483647> : vector<16xi32>
    %reduce_min3A_62 = vector.multi_reduction <minsi>, %select_n3A_60, %reduce_min3A_61 [1] : vector<16x4096xi32> to vector<16xi32>
    %broadcast_in_dim3A_63 = vector.shape_cast %reduce_min3A_62 : vector<16xi32> to vector<16x1xi32>
    %sub3A = arith.subf %broadcast_in_dim3A_55, %broadcast_in_dim3A_43 : vector<16x1xf32>
    %div3A_64 = arith.constant 1.000000e-01 : f32
    %div3A_65 = vector.broadcast %div3A_64 : f32 to vector<16x1xf32>
    %div3A_66 = arith.divf %sub3A, %div3A_65 : vector<16x1xf32>
    %exp3A = math.exp %div3A_66 : vector<16x1xf32>
    %add3A_67 = arith.constant 1.000000e+00 : f32
    %add3A_68 = vector.broadcast %add3A_67 : f32 to vector<16x1xf32>
    %add3A_69 = arith.addf %add3A_68, %exp3A : vector<16x1xf32>
    %concatenate3A = tpu.concatenate %broadcast_in_dim3A_47, %broadcast_in_dim3A_63 in 1 : vector<16x1xi32>, vector<16x1xi32> -> vector<16x2xi32>
    %swap3A = arith.constant 0 : index
    %swap3A_70 = arith.constant 0 : index
    %swap3A_71 = vector.load %arg6[%swap3A, %swap3A_70] : memref<16x2xi32, #tpu.memory_space<vmem>>, vector<16x2xi32>
    tpu.vector_store %arg6[%swap3A, %swap3A_70], %concatenate3A {strides = array<i32>} : memref<16x2xi32, #tpu.memory_space<vmem>>, vector<16x2xi32>,
    %div3A_72 = arith.constant 1.000000e+00 : f32
    %div3A_73 = vector.broadcast %div3A_72 : f32 to vector<16x1xf32>
    %div3A_74 = arith.divf %div3A_73, %add3A_69 : vector<16x1xf32>
    %div3A_75 = arith.divf %exp3A, %add3A_69 : vector<16x1xf32>
    %concatenate3A_76 = tpu.concatenate %div3A_74, %div3A_75 in 1 : vector<16x1xf32>, vector<16x1xf32> -> vector<16x2xf32>
    %swap3A_77 = arith.constant 0 : index
    %swap3A_78 = arith.constant 0 : index
    %swap3A_79 = vector.load %arg7[%swap3A_77, %swap3A_78] : memref<16x2xf32, #tpu.memory_space<vmem>>, vector<16x2xf32>
    tpu.vector_store %arg7[%swap3A_77, %swap3A_78], %concatenate3A_76 {strides = array<i32>} : memref<16x2xf32, #tpu.memory_space<vmem>>, vector<16x2xf32>,
    return
  }
}

</mosaic_0001>

<sc_bundles>
// kernel: kernel.4.cloned.1.call-start
scs
__scs_entry_jumppad:
0x0: {  	(pc) =	sbr.rel $0x88, $3  }
0x1: {  	(tag) =	ssettag $0x0;
	lr =	simm.s32 $0x1  }
0x2: {  	[smem:$0x3F99] =	sst lr;
	_ =	strace $0xD0000000  }
0x3: {  	_ = 	snop  }
0x4: {  	_ = 	snop  }
0x5: {  	_ = 	snop  }
0x6: {  	_ = 	snop  }
0x7: {  	_ = 	snop  }
__scs_overlays_trampoline_lowered:
0x8: {  	[smem:$0x3FA8] =	sst s0  }
0x9: {  	[smem:$0x3FA9] =	sst s1  }
0xa: {  	[smem:$0x3FAA] =	sst s2  }
0xb: {  	[smem:$0x3FAB] =	sst s3  }
0xc: {  	[smem:$0x3FAC] =	sst s4  }
0xd: {  	[smem:$0x3FAD] =	sst s5  }
0xe: {  	[smem:$0x3FAE] =	sst s6  }
0xf: {  	[smem:$0x3FAF] =	sst s7  }
0x10: {  	[smem:$0x3FB0] =	sst s8  }
0x11: {  	[smem:$0x3FB1] =	sst s9;
	s0 =	simm.s32 @!p0 $0x0  }
0x12: {  	s1 =	sld [smem:$0x3F97];
	s0 =	simm.s32 @p0 $0x1  }
0x13: {  	[smem:$0x3FB2] =	sst s0;
	s0 =	simm.s32 @!p1 $0x0  }
0x14: {  	s2 =	sld [smem:$0x3F96];
	s0 =	simm.s32 @p1 $0x1  }
0x15: {  	[smem:$0x3FB3] =	sst s0;
	s0 =	simm.s32 @!p2 $0x0  }
0x16: {  	s3 =	sld [smem:$0x3FDB];
	s0 =	simm.s32 @p2 $0x1  }
0x17: {  	s4 =	simm.s32 $0x1BF5;
	[smem:$0x3FB5] =	sst s0  }
0x18: {  	s0 =	sld [smem:$0x3F98];
	_ =	swait.ge [sflag:s4], $0x0  }
0x19: {  	s7 =	sld [smem:$0x3F99]  }
0x1a: {  	s8 =	sadd.s32 $0xFFFFE003, lr  }
0x1b: {  	s9 =	sadd.s32 $0xFFFFFEF7, lr;
	s5 =	simm.s32 $0xFFFFFFFF;
	p2 =	slt.u32 s8, $0xFFFFF086  }
0x1c: {  	p1 =	slt.u32 s9, $0xF7A;
	s5 =	simm.s32 @!p2 $0x0  }
0x1d: {  	s5 =	simm.s32 @p1 $0x1;
	p0 =	seq.s32 s7, s2  }
0x1e: {  	s7 =	smul.u32 @!p0 $0xF7A, s2;
	p2 =	seq.s32 @!p0 s5, $0x0  }
0x1f: {  	s9 =	smul.u32 $0xF7A, s1;
	s8 =	simm.s32 @!p0 $0x1BF5;
	p2 =	por !p2, p0  }
0x20: {  	[sflag:s8] =	ssyncset.s32 @!p0 $0xFFFFF086;
	s6 =	sadd.s32 @!p0 s3, s7;
	s7 =	simm.s32 @!p0 $0x108  }
0x21: {  	s3 =	sadd.s32 s3, s9;
	s6 =	sadd.s32 @!p0 $0x88, s6;
	s7 =	simm.s32 @p2 $0x1082  }
0x22: {  	[simem:s7], [sflag:s8] =	dma.local @!p0 [hbm:s6], $0xF7A  }
0x23: {  	s9 =	sor.u32 $0xD0000000, s2;
	s6 =	simm.s32 $0x108;
	_ =	swait.ge @!p0 [sflag:s8], $0x0  }
0x24: {  	s3 =	sadd.s32 $0x88, s3;
	s6 =	simm.s32 @!p1 $0x1082;
	[sflag:s4] =	ssyncset.s32 $0xFFFFF086  }
0x25: {  	[simem:s6], [sflag:s4] =	dma.local [hbm:s3], $0xF7A  }
0x26: {  	[smem:$0x3F99] =	sst s1;
	(tag) =	ssettag s2;
	_ =	strace s9  }
0x27: {  	s1 =	sld [smem:$0x3FA9]  }
0x28: {  	s2 =	sld [smem:$0x3FAA]  }
0x29: {  	s4 =	sld [smem:$0x3FAC]  }
0x2a: {  	p0 =	seq.s32 s5, $0x0;
	s5 =	sld [smem:$0x3FAD]  }
0x2b: {  	s6 =	sld [smem:$0x3FAE]  }
0x2c: {  	s7 =	sld [smem:$0x3FAF]  }
0x2d: {  	s3 =	simm.s32 $0x108;
	s8 =	sld [smem:$0x3FB0]  }
0x2e: {  	s3 =	simm.s32 @!p0 $0x1082;
	s9 =	sld [smem:$0x3FB1]  }
0x2f: {  	lr =	sadd.s32 s0, s3;
	s0 =	sld [smem:$0x3FA8]  }
0x30: {  	s3 =	sld [smem:$0x3FAB]  }
0x31: {  	[smem:$0x3FB4] =	sst s10  }
0x32: {  	s10 =	sld [smem:$0x3FB2];
	_ =	sdelay $0x3  }
0x33: {  	p0 =	seq.s32 s10, $0x1;
	s10 =	sld [smem:$0x3FB4];
	_ =	sdelay $0x3  }
0x34: {  	[smem:$0x3FB4] =	sst s10  }
0x35: {  	s10 =	sld [smem:$0x3FB3];
	_ =	sdelay $0x3  }
0x36: {  	p1 =	seq.s32 s10, $0x1;
	s10 =	sld [smem:$0x3FB4];
	_ =	sdelay $0x3  }
0x37: {  	[smem:$0x3FB4] =	sst s10  }
0x38: {  	s10 =	sld [smem:$0x3FB5]  }
0x39: {  	_ = 	snop;
	(pc) =	sbr.ind lr, $3  }
0x3a: {  	_ = 	snop  }
0x3b: {  	_ = 	snop  }
0x3c: {  	p2 =	seq.s32 s10, $0x1;
	s10 =	sld [smem:$0x3FB4]  }
0x3d: {  	_ =	shalt  }
0x3e: {  	_ =	shalt  }
0x3f: {  	_ =	shalt  }
0x40: {  	_ =	shalt  }
0x41: {  	_ =	shalt  }
0x42: {  	_ =	shalt  }
0x43: {  	_ =	shalt  }
0x44: {  	_ =	shalt  }
0x45: {  	_ =	shalt  }
0x46: {  	_ =	shalt  }
0x47: {  	_ =	shalt  }
0x48: {  	_ =	shalt  }
0x49: {  	_ =	shalt  }
0x4a: {  	_ =	shalt  }
0x4b: {  	_ =	shalt  }
0x4c: {  	_ =	shalt  }
0x4d: {  	_ =	shalt  }
0x4e: {  	_ =	shalt  }
0x4f: {  	_ =	shalt  }
0x50: {  	_ =	shalt  }
0x51: {  	_ =	shalt  }
0x52: {  	_ =	shalt  }
0x53: {  	_ =	shalt  }
0x54: {  	_ =	shalt  }
0x55: {  	_ =	shalt  }
0x56: {  	_ =	shalt  }
0x57: {  	_ =	shalt  }
0x58: {  	_ =	shalt  }
0x59: {  	_ =	shalt  }
0x5a: {  	_ =	shalt  }
0x5b: {  	_ =	shalt  }
0x5c: {  	_ =	shalt  }
0x5d: {  	_ =	shalt  }
0x5e: {  	_ =	shalt  }
0x5f: {  	_ =	shalt  }
0x60: {  	_ =	shalt  }
0x61: {  	_ =	shalt  }
0x62: {  	_ =	shalt  }
0x63: {  	_ =	shalt  }
0x64: {  	_ =	shalt  }
0x65: {  	_ =	shalt  }
0x66: {  	_ =	shalt  }
0x67: {  	_ =	shalt  }
0x68: {  	_ =	shalt  }
0x69: {  	_ =	shalt  }
0x6a: {  	_ =	shalt  }
0x6b: {  	_ =	shalt  }
0x6c: {  	_ =	shalt  }
0x6d: {  	_ =	shalt  }
0x6e: {  	_ =	shalt  }
0x6f: {  	_ =	shalt  }
0x70: {  	_ =	shalt  }
0x71: {  	_ =	shalt  }
0x72: {  	_ =	shalt  }
0x73: {  	_ =	shalt  }
0x74: {  	_ =	shalt  }
0x75: {  	_ =	shalt  }
0x76: {  	_ =	shalt  }
0x77: {  	_ =	shalt  }
0x78: {  	_ =	shalt  }
0x79: {  	_ =	shalt  }
0x7a: {  	_ =	shalt  }
0x7b: {  	_ =	shalt  }
0x7c: {  	_ =	shalt  }
0x7d: {  	_ =	shalt  }
0x7e: {  	_ =	shalt  }
0x7f: {  	_ =	shalt  }
0x80: {  	_ =	shalt  }
0x81: {  	_ =	shalt  }
0x82: {  	_ =	shalt  }
0x83: {  	_ =	shalt  }
0x84: {  	_ =	shalt  }
0x85: {  	_ =	shalt  }
0x86: {  	_ =	shalt  }
0x87: {  	_ =	shalt  }
.Lfunc_end0:
.L_simem_size_0:
called_computation_lowered:
.L_overlay_start_0:
0x88: {  	s2 =	sld [smem:$0x3FD9]  }
0x89: {  	s3 =	sld [smem:$0x3FFE];
	_ =	sdelay $0x1  }
0x8a: {  	s1 =	srdreg.scid  }
0x8b: {  	s0 =	sand.u32 $0x1, s1  }
0x8c: {  	s14 =	sshll.u32 s0, $0xA;
	s2 =	sadd.s32 s3, s2  }
0x8d: {  	s2 =	sadd.s32 s2, s14  }
0x8e: {  	[smem:$0x3FC0] =	sst s2  }
0x8f: {  	_ = 	snop  }
0x90: {  	s2 =	sld [smem:$0x3FD0];
	_ =	sdelay $0x1  }
0x91: {  	s15 =	sld [smem:$0x3FC3]  }
0x92: {  	s5 =	simm.s32 $0xA;
	s6 =	simm.s32 $0x10;
	s4 =	sld [smem:$0x3FC2]  }
0x93: {  	[smem:s6], [sflag:s5] =	dma.local [hbm:s2], $0x1  }
0x94: {  	_ =	swait.eq [sflag:s5], $0x1  }
0x95: {  	[sflag:s5] =	ssyncset.done $0x0  }
0x96: {  	s16 =	sld [smem:$0x10];
	[sflag:s5] =	ssyncadd.s32 $0xFFFFFFFF  }
0x97: {  	s17 =	sld [smem:$0x11];
	(tm) =	ssettm $0x1  }
0x98: {  	s18 =	sld [smem:$0x3FFB];
	_ =	sdelay $0x3  }
0x99: {  	_ =	strace s18  }
0x9a: {  	s6 =	sld [smem:$0x3FFC];
	_ =	sdelay $0x3  }
0x9b: {  	_ =	strace s6  }
0x9c: {  	s6 =	sld [smem:$0x3FFD];
	_ =	sdelay $0x3  }
0x9d: {  	_ =	strace s6  }
0x9e: {  	_ =	strace $0x8FFFFFFF  }
0x9f: {  	s19 =	sld [smem:$0x3FDB];
	_ =	sdelay $0x1  }
0xa0: {  	s7 =	simm.s32 $_scs_section_size  }
0xa1: {  	s8 =	simm.s32 $_size__tile_overlayer_lowered;
	s9 =	simm.s32 $_tile_overlayer_lowered  }
0xa2: {  	s22 =	simm.s32 $0x1BFF;
	s21 =	sshll.u32 s9, $0x1;
	s6 =	sadd.s32 s7, s19  }
0xa3: {  	s10 =	simm.s32 $0x0;
	s20 =	sshll.u32 s8, $0x1;
	s8 =	sadd.s32 s21, s6  }
0xa4: {  	[timem:s10], [sflag:s22] =	dma.local [hbm:s8], s20  }
0xa5: {  	_ =	swait.ge [sflag:s22], s20  }
0xa6: {  	s7 =	ssub.s32 $0x0, s20;
	[sflag:s22] =	ssyncset.done $0x0  }
0xa7: {  	[sflag:s22] =	ssyncadd.s32 s7;
	_ =	sdelay $0x1  }
0xa8: {  	s23 =	simm.s32 $0x1B8B  }
0xa9: {  	_ =	swait.ge [sflag:s23], $0x1  }
0xaa: {  	[sflag:s23] =	ssyncset.done $0x0  }
0xab: {  	s25 =	simm.s32 $0x1B8E;
	s24 =	sld [smem:$0x3FFE];
	[sflag:s23] =	ssyncadd.s32 $0xFFFFFFFF  }
0xac: {  	s26 =	simm.s32 $execute0_lowered;
	[smem:$0x3FD2] =	sst s25  }
0xad: {  	s8 =	sshll.u32 s26, $0x1;
	_ =	strace $0x80000046;
	[dreg:$0x1] =	wrdreg $0xFFFFFFFF  }
0xae: {  	s28 =	simm.s32 $_size_execute0_lowered;
	s6 =	sadd.s32 s6, s8;
	[dreg:$0x0] =	wrdreg $0x0  }
0xaf: {  	s8 =	sshll.u32 s28, $0x1;
	[dreg:$0x2] =	wrdreg s6  }
0xb0: {  	[dreg:$0x3] =	wrdreg s8  }
0xb1: {  	[dreg:$0x4] =	wrdreg $0xC0  }
0xb2: {  	_ =	task [dreg:s10], $0x5FFFF  }
0xb3: {  	[dreg:$0x1] =	wrdreg $0xFFFFFFFF  }
0xb4: {  	[dreg:$0x0] =	wrdreg $0x60  }
0xb5: {  	[dreg:$0x2] =	wrdreg s15  }
0xb6: {  	[dreg:$0x3] =	wrdreg s4  }
0xb7: {  	[dreg:$0x4] =	wrdreg s16  }
0xb8: {  	[dreg:$0x5] =	wrdreg s17  }
0xb9: {  	[dreg:$0x6] =	wrdreg s24  }
0xba: {  	[dreg:$0x7] =	wrdreg $0x9  }
0xbb: {  	_ =	task.clear_ibuf [dreg:s10], $0x8FFFF;
	_ =	strace $0x90000046  }
0xbc: {  	s29 =	simm.s32 $0x9;
	_ =	strace $0x80000048  }
0xbd: {  	_ =	swait.ge [sflag:s29], $0x1  }
0xbe: {  	[sflag:s29] =	ssyncadd.s32 $0xFFFFFFFF  }
0xbf: {  	_ =	strace $0x90000048  }
0xc0: {  	_ =	sfence  }
0xc1: {  	s30 =	sld [smem:$0x0];
	_ =	sdelay $0x2  }
0xc2: {  	s31 =	sshll.u32 s1, $0xD;
	s1 =	sshrl.u32 s1, $0x2  }
0xc3: {  	s3 =	sand.u32 $0x4000, s31;
	s1 =	sadd.s32 s1, s30  }
0xc4: {  	s0 =	sor.u32 s3, s0;
	s1 =	sshll.u32 s1, $0x11  }
0xc5: {  	s0 =	sor.u32 s1, s0  }
0xc6: {  	s0 =	sadd.s32 $0x8F2B, s0  }
0xc7: {  	[sflag:s0] =	ssyncadd.remote.s32 $0x1  }
0xc8: {  	_ =	sfence.sel $0xFFFF  }
0xc9: {  	[dreg:$0x0] =	wrdreg $0xFFFFFFFF;
	(pc) =	sbr.abs _section_cstart, $3  }
0xca: {  	[dreg:$0x1] =	wrdreg $0xFFFFFFFF  }
0xcb: {  	_ =	task.clear_ibuf [dreg:s10], $0x2FFFF;
	_ =	strace $0x9FFFFFFF  }
0xcc: {  	(tm) =	ssettm $0x7FFFFFFF  }
0xcd: {  	_ =	shalt  }
tec
execute0_lowered:
.L_overlay_start_1:
0x0: {  	(tag) =	ssettag $0x1  }
0x1: {  	s0 =	rddreg [dreg:$0x0]  }
0x2: {  	s1 =	rddreg [dreg:$0x2]  }
0x3: {  	s3 =	rddreg [dreg:$0x3]  }
0x4: {  	s4 =	rddreg [dreg:$0x4]  }
0x5: {  	s5 =	srdreg.scid;
	s2 =	stileid.u32  }
0x6: {  	s8 =	simm.s32 $0x0;
	s15 =	simm.s32 $0x80;
	s16 =	simm.s32 $0x100  }
0x7: {  	s17 =	simm.s32 $0x1900;
	s18 =	simm.s32 $0xD00;
	s19 =	simm.s32 $0x2500  }
0x8: {  	s20 =	simm.s32 $0x6100;
	s21 =	simm.s32 $0x6900;
	s22 =	simm.s32 $0x4  }
0x9: {  	s23 =	simm.s32 $0xC00;
	s29 =	simm.s32 $0x800;
	s30 =	simm.s32 $0x0  }
0xa: {  	s5 =	sand.u32 $0x1, s5;
	s6 =	sshll.u32 s2, $0x1;
	s7 =	sshrl.u32 s2, $0x2  }
0xb: {  	[smem:$0x7FF] =	sst s8;
	s6 =	sor.u32 s5, s6;
	s9 =	smul.u32 $0xC000, s7  }
0xc: {  	_ =	strace $0x80000047;
	s7 =	sshll.u32 s7, $0xE;
	s5 =	ssub.s32 $0x2, s5  }
0xd: {  	s25 =	sshll.u32 s6, $0x7;
	s10 =	sshll.u32 s6, $0x5;
	s26 =	smul.u32 $0x3000, s6  }
0xe: {  	s28 =	sshrl.u32 s5, $0x1;
	s31 =	sshll.u32 s6, $0x9;
	s8 =	sand.u32 $0x380, s25  }
0xf: {  	s10 =	sadd.s32 s10, s4;
	s14 =	ssub.s32 s5, s28;
	s25 =	simm.s32 $0x5  }
0x10: {  	s9 =	sor.u32 s9, s8;
	s7 =	sor.u32 s7, s8;
	s8 =	sshrl.u32 s26, $0x3  }
0x11: {  	s6 =	sadd.s32 $0x1600, s10;
	s14 =	smax.u32 s14, $0x1;
	s26 =	simm.s32 $0x3  }
0x12: {  	s9 =	sshrl.u32 s9, $0x3;
	s7 =	sshrl.u32 s7, $0x3;
	s5 =	sadd.s32 s1, s8  }
0x13: {  	s8 =	sadd.s32 s3, s31;
	s1 =	simm.s32 $0x1;
	s3 =	simm.s32 $0x2  }
0x14: {  	s12 =	sadd.s32 s9, s4;
	s4 =	sadd.s32 s7, s4;
	s7 =	sadd.s32 $0x10, s5  }
0x15: {  	s9 =	sadd.s32 $0x300, s5;
	s10 =	sadd.s32 $0x310, s5;
	s11 =	sadd.s32 $0x10, s8  }
0x16: {  	s12 =	sadd.s32 $0x3A00, s12;
	s13 =	sadd.s32 $0x1A00, s4;
	s4 =	simm.s32 $0x400  }
.LBB2_1:
0x17: {  	s2 =	simm.s32 $0x0  }
0x18: {  	[tilespmem:s2], [sflag:$0x4] =	stream.linear.gather [hbm4b:s6+s2], $0x100, $0x38;
	[tilespmem:$0xA100] =	vst v63  }
0x19: {  	_ = 	snop  }
0x1a: {  	[tilespmem:s16], [sflag:$0x4] =	stream.strided.gather [hbm4b:s5+s15], $0xC00, s16, s15, $0x38;
	[tilespmem:$0xA100] =	vst v63  }
0x1b: {  	_ = 	snop  }
0x1c: {  	[tilespmem:s17], [sflag:$0x4] =	stream.strided.gather [hbm4b:s7+s15], $0xC00, s16, s15, $0x38;
	[tilespmem:$0xA100] =	vst v63  }
0x1d: {  	_ = 	snop  }
0x1e: {  	[tilespmem:s18], [sflag:$0x4] =	stream.strided.gather [hbm4b:s9+s15], $0xC00, s16, s15, $0x38;
	[tilespmem:$0xA100] =	vst v63  }
0x1f: {  	_ = 	snop  }
0x20: {  	[tilespmem:s19], [sflag:$0x4] =	stream.strided.gather [hbm4b:s10+s15], $0xC00, s16, s15, $0x38;
	[tilespmem:$0xA100] =	vst v63  }
0x21: {  	_ = 	snop  }
0x22: {  	[tilespmem:s20], [sflag:$0x4] =	stream.strided.gather [hbm4b:s8+s15], $0x800, s16, s15, $0x38;
	[tilespmem:$0xA100] =	vst v63  }
0x23: {  	_ = 	snop  }
0x24: {  	[tilespmem:s21], [sflag:$0x4] =	stream.strided.gather [hbm4b:s11+s15], $0x800, s16, s15, $0x38;
	[tilespmem:$0xA100] =	vst v63  }
0x25: {  	_ =	swait.ge [sflag:s22], $0xC00  }
0x26: {  	[sflag:s22] =	ssyncset.done $0x0  }
0x27: {  	s24 =	simm.s32 $0x3100;
	[sflag:s22] =	ssyncadd.s32 $0xFFFFF400  }
0x28: {  	[tilespmem:s24], [sflag:$0x1] =	stream.indirect.gather [hbm4b:s0+s23], $0x1, s16, s23, $0xb8;
	[tilespmem:$0xA100] =	vst v63  }
0x29: {  	_ =	swait.ge [sflag:s22], $0xC00  }
0x2a: {  	[sflag:s22] =	ssyncset.done $0x0  }
0x2b: {  	s24 =	simm.s32 $0x4900;
	[sflag:s22] =	ssyncadd.s32 $0xFFFFF400  }
0x2c: {  	[tilespmem:s24], [sflag:$0x1] =	stream.indirect.gather [hbm4b:s0+s23], $0x1, s17, s23, $0xb8;
	[tilespmem:$0xA100] =	vst v63  }
0x2d: {  	_ =	swait.ge [sflag:s22], $0xC00  }
0x2e: {  	[sflag:s22] =	ssyncset.done $0x0  }
0x2f: {  	s24 =	simm.s32 $0x3D00;
	[sflag:s22] =	ssyncadd.s32 $0xFFFFF400  }
0x30: {  	[tilespmem:s24], [sflag:$0x2] =	stream.indirect.gather [hbm4b:s0+s23], $0x1, s18, s23, $0xb8;
	[tilespmem:$0xA100] =	vst v63  }
0x31: {  	_ =	swait.ge [sflag:s22], $0xC00  }
0x32: {  	[sflag:s22] =	ssyncset.done $0x0  }
0x33: {  	s24 =	simm.s32 $0x5500;
	[sflag:s22] =	ssyncadd.s32 $0xFFFFF400  }
0x34: {  	[tilespmem:s24], [sflag:$0x2] =	stream.indirect.gather [hbm4b:s0+s23], $0x1, s19, s23, $0xb8;
	[tilespmem:$0xA100] =	vst v63  }
0x35: {  	_ =	swait.ge [sflag:s22], $0x800  }
0x36: {  	[sflag:s22] =	ssyncset.done $0x0  }
0x37: {  	[sflag:s22] =	ssyncadd.s32 $0xFFFFF800  }
0x38: {  	s24 =	simm.s32 $0x7100;
	s2 =	rddreg [dreg:$0x1]  }
0x39: {  	[tilespmem:s24], [sflag:$0x3] =	stream.indirect.gather [hbm4b:s2+s29], $0x1, s20, s29, $0xb8;
	[tilespmem:$0xA100] =	vst v63  }
0x3a: {  	_ =	swait.ge [sflag:s22], $0x800  }
0x3b: {  	[sflag:s22] =	ssyncset.done $0x0  }
0x3c: {  	s24 =	simm.s32 $0x7900;
	[sflag:s22] =	ssyncadd.s32 $0xFFFFF800  }
0x3d: {  	[tilespmem:s24], [sflag:$0x3] =	stream.indirect.gather [hbm4b:s2+s29], $0x1, s21, s29, $0xb8;
	[tilespmem:$0xA100] =	vst v63  }
0x3e: {  	_ =	swait.ge [sflag:s22], $0x100  }
0x3f: {  	[sflag:s22] =	ssyncset.done $0x0  }
0x40: {  	[sflag:s22] =	ssyncadd.s32 $0xFFFFFF00  }
0x41: {  	v0 =	vld [tilespmem:$0x0]  }
0x42: {  	v1 =	vld [tilespmem:$0x80];
	_ =	swait.ge [sflag:s1], $0xC00  }
0x43: {  	[sflag:s1] =	ssyncset.done $0x0  }
0x44: {  	[sflag:s1] =	ssyncadd.s32 $0xFFFFF400  }
0x45: {  	_ =	swait.ge [sflag:s1], $0xC00  }
0x46: {  	[sflag:s1] =	ssyncset.done $0x0  }
0x47: {  	s24 =	simm.s32 $0x0;
	[sflag:s1] =	ssyncadd.s32 $0xFFFFF400  }
0x48: {  	v3 =	vld [tilespmem:s24+$0x3110]  }
0x49: {  	v4 =	vld [tilespmem:s24+$0x4910]  }
0x4a: {  	v5 =	vld [tilespmem:s24+$0x3100]  }
0x4b: {  	v6 =	vld [tilespmem:s24+$0x4900];
	_ =	sdelay $0x1  }
0x4c: {  	s31 =	simm.s32 $0x20  }
0x4d: {  	v2 =	vld [tilespmem:s31+$0x3110];
	v7 =	vmul.f32 v3, v0;
	v8 =	vmul.f32 v4, v1  }
0x4e: {  	v3 =	vld [tilespmem:s31+$0x4910]  }
0x4f: {  	v9 =	vmul.f32 v5, v0;
	v4 =	vld [tilespmem:s31+$0x3100];
	v6 =	vmul.f32 v6, v1;
	v7 =	vadd.f32 v8, v7  }
0x50: {  	v5 =	vld [tilespmem:s31+$0x4900]  }
0x51: {  	s28 =	simm.s32 $0x100;
	v6 =	vadd.f32 v6, v9;
	[tilespmem:s24+$0x8110] =	vst v7  }
.LBB2_2:
0x52: {  	s2 =	sshra.s32 s28, $0x2;
	p0 =	sne.s32 s28, $0x2F80  }
.Ltmp0:
0x53: {  	s28 =	sadd.s32 $0x80, s28;
	v7 =	vmul.f32 v2, v0;
	v2 =	vld [tilespmem:s2+$0x3110];
	v8 =	vmul.f32 v3, v1;
	[tilespmem:s24+$0x8100] =	vst v6;
	(pc) =	sbr.rel @p0 .LBB2_2-.Ltmp0, $4  }
0x54: {  	s24 =	smov.u32 s31;
	s31 =	smov.u32 s2;
	v3 =	vld [tilespmem:s2+$0x4910];
	v6 =	vmul.f32 v4, v0  }
0x55: {  	v4 =	vld [tilespmem:s31+$0x3100];
	v9 =	vmul.f32 v5, v1;
	v7 =	vadd.f32 v8, v7  }
0x56: {  	v5 =	vld [tilespmem:s31+$0x4900]  }
0x57: {  	v6 =	vadd.f32 v9, v6;
	[tilespmem:s24+$0x8110] =	vst v7  }
0x58: {  	_ =	sdelay $0x1  }
0x59: {  	v2 =	vmul.f32 v2, v0;
	v3 =	vmul.f32 v3, v1  }
0x5a: {  	v4 =	vmul.f32 v4, v0;
	v5 =	vmul.f32 v5, v1  }
0x5b: {  	v2 =	vadd.f32 v3, v2  }
0x5c: {  	[tilespmem:s24+$0x8100] =	vst v6;
	v3 =	vadd.f32 v5, v4  }
0x5d: {  	[tilespmem:s31+$0x8110] =	vst v2  }
0x5e: {  	[tilespmem:s31+$0x8100] =	vst v3  }
0x5f: {  	_ =	swait.ge [sflag:s3], $0xC00  }
0x60: {  	[sflag:s3] =	ssyncset.done $0x0  }
0x61: {  	[sflag:s3] =	ssyncadd.s32 $0xFFFFF400  }
0x62: {  	_ =	swait.ge [sflag:s3], $0xC00  }
0x63: {  	[sflag:s3] =	ssyncset.done $0x0  }
0x64: {  	s24 =	simm.s32 $0x0;
	[sflag:s3] =	ssyncadd.s32 $0xFFFFF400  }
0x65: {  	v3 =	vld [tilespmem:s24+$0x3D10]  }
0x66: {  	v4 =	vld [tilespmem:s24+$0x5510]  }
0x67: {  	v5 =	vld [tilespmem:s24+$0x3D00]  }
0x68: {  	v6 =	vld [tilespmem:s24+$0x5500];
	_ =	sdelay $0x1  }
0x69: {  	s31 =	simm.s32 $0x20  }
0x6a: {  	v2 =	vld [tilespmem:s31+$0x3D10];
	v7 =	vmul.f32 v3, v0;
	v8 =	vmul.f32 v4, v1  }
0x6b: {  	v3 =	vld [tilespmem:s31+$0x5510]  }
0x6c: {  	v9 =	vmul.f32 v5, v0;
	v4 =	vld [tilespmem:s31+$0x3D00];
	v6 =	vmul.f32 v6, v1;
	v7 =	vadd.f32 v8, v7  }
0x6d: {  	v5 =	vld [tilespmem:s31+$0x5500]  }
0x6e: {  	s28 =	simm.s32 $0x100;
	v6 =	vadd.f32 v6, v9;
	[tilespmem:s24+$0x8D10] =	vst v7  }
.LBB2_4:
0x6f: {  	s2 =	sshra.s32 s28, $0x2;
	p0 =	sne.s32 s28, $0x2F80  }
.Ltmp1:
0x70: {  	s28 =	sadd.s32 $0x80, s28;
	v7 =	vmul.f32 v2, v0;
	v2 =	vld [tilespmem:s2+$0x3D10];
	v8 =	vmul.f32 v3, v1;
	[tilespmem:s24+$0x8D00] =	vst v6;
	(pc) =	sbr.rel @p0 .LBB2_4-.Ltmp1, $4  }
0x71: {  	s24 =	smov.u32 s31;
	s31 =	smov.u32 s2;
	v3 =	vld [tilespmem:s2+$0x5510];
	v6 =	vmul.f32 v4, v0  }
0x72: {  	v4 =	vld [tilespmem:s31+$0x3D00];
	v9 =	vmul.f32 v5, v1;
	v7 =	vadd.f32 v8, v7  }
0x73: {  	v5 =	vld [tilespmem:s31+$0x5500]  }
0x74: {  	v6 =	vadd.f32 v9, v6;
	[tilespmem:s24+$0x8D10] =	vst v7  }
0x75: {  	_ =	sdelay $0x1  }
0x76: {  	v2 =	vmul.f32 v2, v0;
	v3 =	vmul.f32 v3, v1  }
0x77: {  	v4 =	vmul.f32 v4, v0;
	v5 =	vmul.f32 v5, v1  }
0x78: {  	v2 =	vadd.f32 v3, v2  }
0x79: {  	[tilespmem:s24+$0x8D00] =	vst v6;
	v3 =	vadd.f32 v5, v4  }
0x7a: {  	[tilespmem:s31+$0x8D10] =	vst v2  }
0x7b: {  	s2 =	simm.s32 $0x8100;
	[tilespmem:s31+$0x8D00] =	vst v3  }
0x7c: {  	[hbm4b:s12+s15] =	stream.strided.scatter [tilespmem:s2], [sflag:$0x5], $0x1800, s4, s15, $0x38;
	[tilespmem:$0xA100] =	vst v63  }
0x7d: {  	_ =	swait.ge [sflag:s25], $0x1800  }
0x7e: {  	[sflag:s25] =	ssyncset.done $0x0  }
0x7f: {  	[sflag:s25] =	ssyncadd.s32 $0xFFFFE800  }
0x80: {  	_ =	swait.ge [sflag:s26], $0x800  }
0x81: {  	[sflag:s26] =	ssyncset.done $0x0  }
0x82: {  	[sflag:s26] =	ssyncadd.s32 $0xFFFFF800  }
0x83: {  	_ =	swait.ge [sflag:s26], $0x800  }
0x84: {  	[sflag:s26] =	ssyncset.done $0x0  }
0x85: {  	s24 =	simm.s32 $0x0;
	[sflag:s26] =	ssyncadd.s32 $0xFFFFF800  }
0x86: {  	v3 =	vld [tilespmem:s24+$0x7110]  }
0x87: {  	v4 =	vld [tilespmem:s24+$0x7910]  }
0x88: {  	v5 =	vld [tilespmem:s24+$0x7100]  }
0x89: {  	v6 =	vld [tilespmem:s24+$0x7900];
	_ =	sdelay $0x1  }
0x8a: {  	s31 =	simm.s32 $0x20  }
0x8b: {  	v2 =	vld [tilespmem:s31+$0x7110];
	v7 =	vmul.f32 v3, v0;
	v8 =	vmul.f32 v4, v1  }
0x8c: {  	v3 =	vld [tilespmem:s31+$0x7910]  }
0x8d: {  	v9 =	vmul.f32 v5, v0;
	v4 =	vld [tilespmem:s31+$0x7100];
	v6 =	vmul.f32 v6, v1;
	v7 =	vadd.f32 v8, v7  }
0x8e: {  	v5 =	vld [tilespmem:s31+$0x7900]  }
0x8f: {  	s28 =	simm.s32 $0x100;
	v6 =	vadd.f32 v6, v9;
	[tilespmem:s24+$0x9910] =	vst v7  }
.LBB2_6:
0x90: {  	s2 =	sshra.s32 s28, $0x2;
	p0 =	sne.s32 s28, $0x1F80  }
.Ltmp2:
0x91: {  	s28 =	sadd.s32 $0x80, s28;
	v7 =	vmul.f32 v2, v0;
	v2 =	vld [tilespmem:s2+$0x7110];
	v8 =	vmul.f32 v3, v1;
	[tilespmem:s24+$0x9900] =	vst v6;
	(pc) =	sbr.rel @p0 .LBB2_6-.Ltmp2, $4  }
0x92: {  	s24 =	smov.u32 s31;
	s31 =	smov.u32 s2;
	v3 =	vld [tilespmem:s2+$0x7910];
	v6 =	vmul.f32 v4, v0  }
0x93: {  	v4 =	vld [tilespmem:s31+$0x7100];
	v9 =	vmul.f32 v5, v1;
	v7 =	vadd.f32 v8, v7  }
0x94: {  	v5 =	vld [tilespmem:s31+$0x7900]  }
0x95: {  	v6 =	vadd.f32 v9, v6;
	[tilespmem:s24+$0x9910] =	vst v7  }
0x96: {  	_ =	sdelay $0x1  }
0x97: {  	v2 =	vmul.f32 v2, v0;
	v3 =	vmul.f32 v3, v1  }
0x98: {  	v62 =	vmul.f32 v4, v0;
	v63 =	vmul.f32 v5, v1  }
0x99: {  	v2 =	vadd.f32 v3, v2  }
0x9a: {  	s30 =	sadd.s32 $0x1, s30;
	[tilespmem:s24+$0x9900] =	vst v6;
	v0 =	vadd.f32 v63, v62  }
0x9b: {  	p0 =	sne.s32 s30, s14;
	[tilespmem:s31+$0x9910] =	vst v2  }
.Ltmp3:
0x9c: {  	s2 =	simm.s32 $0x9900;
	[tilespmem:s31+$0x9900] =	vst v0;
	(pc) =	sbr.rel @p0 .LBB2_1-.Ltmp3, $4  }
0x9d: {  	[hbm4b:s13+s15] =	stream.strided.scatter [tilespmem:s2], [sflag:$0x5], $0x800, s4, s15, $0x38;
	[tilespmem:$0xA100] =	vst v63  }
0x9e: {  	_ =	swait.ge [sflag:s25], $0x800  }
0x9f: {  	[sflag:s25] =	ssyncset.done $0x0  }
0xa0: {  	[sflag:s25] =	ssyncadd.s32 $0xFFFFF800  }
0xa1: {  	_ =	sfence.sel $0x180000  }
0xa2: {  	[bflag:$0x0] =	sbarrier.arrive $0xFFFF  }
0xa3: {  	_ =	strace $0x90000047  }
0xa4: {  	s0 =	stileid.u32;
	[bflag:$0x2] =	sbarrier.arrive $0xFFFF  }
0xa5: {  	p0 =	sne.s32 s0, $0x0;
	s0 =	rddreg [dreg:$0x5]  }
0xa6: {  	s0 =	sadd.s32 @!p0 $0x100000, s0  }
0xa7: {  	[sflag:s0] =	ssyncadd.tile.s32 @!p0 $0x1;
	_ =	shalt  }
.Lfunc_end2:
_tile_overlayer_lowered:
.L_overlay_start_2:
0xa8: {  	(tag) =	ssettag $0x2  }
0xa9: {  	s0 =	rddreg [dreg:$0x0];
	s2 =	stileid.u32  }
0xaa: {  	s1 =	rddreg [dreg:$0x1];
	p0 =	sne.s32 s2, $0x0  }
0xab: {  	s3 =	rddreg [dreg:$0x2];
	[bflag:$0x3] =	sbarrier.arrive $0xFFFF;
	s2 =	simm.s32 @!p0 $0x1C05  }
0xac: {  	[timem:s3], [sflag:s2] =	dma.local @!p0 [hbm:s0], s1  }
0xad: {  	s0 =	simm.s32 @!p0 $0x5  }
0xae: {  	_ =	swait.ge @!p0 [sflag:s0], s1  }
0xaf: {  	s1 =	ssub.s32 @!p0 $0x0, s1;
	[sflag:s0] =	ssyncset.done @!p0 $0x0  }
0xb0: {  	[sflag:s0] =	ssyncadd.s32 @!p0 s1  }
0xb1: {  	[bflag:$0x3] =	sbarrier.arrive $0xFFFF  }
0xb2: {  	_ =	shalt  }

</sc_bundles>
